<compile_context>
chip_gen: v7x
topology: tpu7x:2x2x1
jax: 0.10.2.dev20260603
libtpu: 0.0.44.dev20260713+nightly
codegen_flags: <defaults>
</compile_context>

<pallas_src>
import functools
import math

import jax
import jax.numpy as jnp
from jax import lax
from jax.experimental import pallas as pl
from jax.experimental.pallas import tpu as pltpu
from jax.experimental.pallas import tpu_sc as plsc

_EMBED = 64
_LANES = 16
_VPR = _EMBED // _LANES
_SCALE = math.sqrt(_EMBED)
_PAIR_W = 2 * _EMBED

_info = plsc.get_sparse_core_info()
_NC, _NS = _info.num_cores, _info.num_subcores
_NW = _NC * _NS
_NBUF = 2
_NGBUF = 4


def _make_lookup(src_len: int, batch: int, vocab: int):
    cols_per_w = batch // _NW
    mesh = plsc.VectorSubcoreMesh(core_axis_name="c", subcore_axis_name="s")

    @functools.partial(
        pl.kernel,
        out_type=jax.ShapeDtypeStruct((src_len, batch, _EMBED), jnp.float32),
        mesh=mesh,
        scratch_types=[
            pltpu.VMEM((src_len, cols_per_w), jnp.int32),
            [pltpu.VMEM((cols_per_w, _PAIR_W), jnp.float32) for _ in range(_NGBUF)],
            [pltpu.VMEM((cols_per_w, _EMBED), jnp.float32) for _ in range(_NBUF)],
            [pltpu.SemaphoreType.DMA for _ in range(_NGBUF)],
            [pltpu.SemaphoreType.DMA for _ in range(_NBUF)],
        ],
    )
    def lookup(tok_hbm, wide_hbm, out_hbm, idx_v, row_bufs, stage_bufs, gsems, ssems):
        w = lax.axis_index("s") * _NC + lax.axis_index("c")
        col0 = w * cols_per_w
        pltpu.sync_copy(tok_hbm.at[:, pl.ds(col0, cols_per_w)], idx_v)

        def gather_desc(s, b):
            return pltpu.make_async_copy(
                wide_hbm.at[idx_v.at[s]], row_bufs[b], gsems[b]
            )

        def out_desc(s, b):
            return pltpu.make_async_copy(
                stage_bufs[b], out_hbm.at[s, pl.ds(col0, cols_per_w)], ssems[b]
            )

        def scale(bg, bo):
            @pl.loop(0, cols_per_w)
            def _row(r):
                for j in range(_VPR):
                    sl = pl.ds(j * _LANES, _LANES)
                    stage_bufs[bo][r, sl] = row_bufs[bg][r, sl] * _SCALE

        for g in range(_NGBUF):
            gather_desc(g, g).start()

        @pl.loop(0, src_len, step=_NGBUF)
        def _pipeline(c0):
            for k in range(_NGBUF):
                s = c0 + k
                bg = k
                bo = (c0 + k) % _NBUF if False else k % _NBUF
                gather_desc(s, bg).wait()

                @pl.when(s >= _NBUF)
                def _():
                    out_desc(s - _NBUF, bo).wait()

                scale(bg, bo)
                out_desc(s, bo).start()

                @pl.when(s < src_len - _NGBUF)
                def _():
                    gather_desc(s + _NGBUF, bg).start()

        for t in range(_NBUF):
            s_tail = src_len - _NBUF + t
            out_desc(s_tail, s_tail % _NBUF).wait()

    return lookup


def kernel(tokens, table):
    src_len, batch = tokens.shape
    vocab, embed = table.shape
    wide = jnp.pad(table, ((0, 0), (0, _PAIR_W - embed)))
    return _make_lookup(src_len, batch, vocab)(tokens.astype(jnp.int32), wide)

# --- scband reference (transcript-rebuilt; emitter-appended) ---
"""Pipeline reference for scband-token-embedding-34892314312822 (READ-ONLY COPY).

The authoritative reference and input builder live on the scoring server;
editing this copy changes nothing except your own understanding.
"""

import math
import jax, jax.numpy as jnp
import numpy as np

VOCAB = 1000000
EMBED = 64
SRC_LEN = 200
BATCH = 4096

def setup_inputs(seed: int = 0) -> dict:
    key = jax.random.key(seed)
    k_tok, k_tab = jax.random.split(key)
    tokens = jax.random.randint(k_tok, (SRC_LEN, BATCH), 0, VOCAB, dtype=jnp.int64 if jax.config.jax_enable_x64 else jnp.int32)
    table = jax.random.normal(k_tab, (VOCAB, EMBED), dtype=jnp.float32)
    return {"tokens": tokens, "table": table}

def reference(tokens, table):
    # nn.Embedding lookup followed by sqrt(embed_size) scaling
    emb = jnp.take(table, tokens, axis=0)  # (src_len, batch, embed_size)
    return emb * math.sqrt(EMBED)

if __name__ == "__main__":
    import jax
    _d = setup_inputs()
    print(jax.jit(kernel)(*tuple(_d.values())))

</pallas_src>

<mosaic_0001>
#map = affine_map<(d0, d1) -> (0, 0)>
#map1 = affine_map<(d0, d1) -> (0, 0, 0)>
module attributes {stable_mosaic.version = 14 : i64} {
  func.func @lookup(%arg0: i32, %arg1: i32, %arg2: memref<200x4096xi32, #tpu.memory_space<hbm>>, %arg3: memref<1000000x128xf32, #tpu.memory_space<hbm>>, %arg4: memref<200x4096x64xf32, #tpu.memory_space<hbm>>, %arg5: memref<200x128xi32, #tpu.memory_space<vmem>>, %arg6: memref<128x128xf32, #tpu.memory_space<vmem>>, %arg7: memref<128x128xf32, #tpu.memory_space<vmem>>, %arg8: memref<128x128xf32, #tpu.memory_space<vmem>>, %arg9: memref<128x128xf32, #tpu.memory_space<vmem>>, %arg10: memref<128x64xf32, #tpu.memory_space<vmem>>, %arg11: memref<128x64xf32, #tpu.memory_space<vmem>>, %arg12: memref<!tpu.dma_semaphore, #tpu.memory_space<semaphore_mem>>, %arg13: memref<!tpu.dma_semaphore, #tpu.memory_space<semaphore_mem>>, %arg14: memref<!tpu.dma_semaphore, #tpu.memory_space<semaphore_mem>>, %arg15: memref<!tpu.dma_semaphore, #tpu.memory_space<semaphore_mem>>, %arg16: memref<!tpu.dma_semaphore, #tpu.memory_space<semaphore_mem>>, %arg17: memref<!tpu.dma_semaphore, #tpu.memory_space<semaphore_mem>>) attributes {dimension_semantics = [#tpu.dimension_semantics<core_parallel>, #tpu.dimension_semantics<subcore_parallel>], iteration_bounds = array<i64: 2, 16>, scalar_prefetch = 0 : i64, scratch_operands = 13 : i64, tpu.core_type = #tpu.core_type<sc_vector_subcore>, window_params = [{transform_indices = #map}, {transform_indices = #map}, {transform_indices = #map1}]} {
    %mul3A = arith.constant 2 : i32
    %mul3A_0 = arith.muli %arg1, %mul3A : i32
    %add3A = arith.addi %mul3A_0, %arg0 : i32
    %mul3A_1 = arith.constant 128 : i32
    %mul3A_2 = arith.muli %add3A, %mul3A_1 : i32
    "tpu.region"() ({
      %run_scoped3A = tpu.sem_alloc : memref<!tpu.dma_semaphore, #tpu.memory_space<semaphore_mem>>
      %dma_start3A_47 = arith.constant 0 : i32
      %dma_start3A_48 = tpu.memref_slice %arg2[%dma_start3A_47, %mul3A_2] : memref<200x4096xi32, #tpu.memory_space<hbm>> -> memref<200x128xi32, #tpu.memory_space<hbm>>
      %dma_start3A_49 = arith.constant 0 : i32
      %dma_start3A_50 = tpu.memref_slice %arg2[%dma_start3A_49, %mul3A_2] : memref<200x4096xi32, #tpu.memory_space<hbm>> -> memref<200x128xi32, #tpu.memory_space<hbm>>
      tpu.enqueue_dma source(%dma_start3A_50 : memref<200x128xi32, #tpu.memory_space<hbm>>) target(%arg5 : memref<200x128xi32, #tpu.memory_space<vmem>>) target_semaphore(%run_scoped3A : memref<!tpu.dma_semaphore, #tpu.memory_space<semaphore_mem>>)
      %dma_wait3A_51 = arith.constant 0 : i32
      %dma_wait3A_52 = tpu.memref_slice %arg2[%dma_wait3A_51, %mul3A_2] : memref<200x4096xi32, #tpu.memory_space<hbm>> -> memref<200x128xi32, #tpu.memory_space<hbm>>
      %dma_wait3A_53 = arith.constant 0 : i32
      %dma_wait3A_54 = tpu.memref_slice %arg2[%dma_wait3A_53, %mul3A_2] : memref<200x4096xi32, #tpu.memory_space<hbm>> -> memref<200x128xi32, #tpu.memory_space<hbm>>
      tpu.wait_dma2 semaphore(%run_scoped3A : memref<!tpu.dma_semaphore, #tpu.memory_space<semaphore_mem>>) src(%dma_wait3A_54 : memref<200x128xi32, #tpu.memory_space<hbm>>) dst(%arg5 : memref<200x128xi32, #tpu.memory_space<vmem>>)
      tpu.yield
    }) : () -> ()
    %dma_start3A = arith.constant 0 : i32
    %dma_start3A_3 = arith.constant 0 : i32
    %dma_start3A_4 = tpu.memref_slice %arg5[%dma_start3A, %dma_start3A_3] : memref<200x128xi32, #tpu.memory_space<vmem>> -> memref<1x128xi32, #tpu.memory_space<vmem>>
    %dma_start3A_5 = tpu.memref_squeeze %dma_start3A_4 : memref<1x128xi32, #tpu.memory_space<vmem>> -> memref<128xi32, #tpu.memory_space<vmem>>
    %dma_start3A_6 = arith.constant 0 : i32
    %dma_start3A_7 = arith.constant 0 : i32
    %dma_start3A_8 = tpu.memref_slice %arg3[%dma_start3A_6, %dma_start3A_7] : memref<1000000x128xf32, #tpu.memory_space<hbm>> -> memref<1000000x128xf32, #tpu.memory_space<hbm>>
    tpu.enqueue_indirect_dma source(%dma_start3A_8 : memref<1000000x128xf32, #tpu.memory_space<hbm>>) target(%arg6 : memref<128x128xf32, #tpu.memory_space<vmem>>) offsets(%dma_start3A_5 : memref<128xi32, #tpu.memory_space<vmem>>) semaphore(%arg12 : memref<!tpu.dma_semaphore, #tpu.memory_space<semaphore_mem>>)
    %dma_start3A_9 = arith.constant 1 : i32
    %dma_start3A_10 = arith.constant 0 : i32
    %dma_start3A_11 = tpu.memref_slice %arg5[%dma_start3A_9, %dma_start3A_10] : memref<200x128xi32, #tpu.memory_space<vmem>> -> memref<1x128xi32, #tpu.memory_space<vmem>>
    %dma_start3A_12 = tpu.memref_squeeze %dma_start3A_11 : memref<1x128xi32, #tpu.memory_space<vmem>> -> memref<128xi32, #tpu.memory_space<vmem>>
    %dma_start3A_13 = arith.constant 0 : i32
    %dma_start3A_14 = arith.constant 0 : i32
    %dma_start3A_15 = tpu.memref_slice %arg3[%dma_start3A_13, %dma_start3A_14] : memref<1000000x128xf32, #tpu.memory_space<hbm>> -> memref<1000000x128xf32, #tpu.memory_space<hbm>>
    tpu.enqueue_indirect_dma source(%dma_start3A_15 : memref<1000000x128xf32, #tpu.memory_space<hbm>>) target(%arg7 : memref<128x128xf32, #tpu.memory_space<vmem>>) offsets(%dma_start3A_12 : memref<128xi32, #tpu.memory_space<vmem>>) semaphore(%arg13 : memref<!tpu.dma_semaphore, #tpu.memory_space<semaphore_mem>>)
    %dma_start3A_16 = arith.constant 2 : i32
    %dma_start3A_17 = arith.constant 0 : i32
    %dma_start3A_18 = tpu.memref_slice %arg5[%dma_start3A_16, %dma_start3A_17] : memref<200x128xi32, #tpu.memory_space<vmem>> -> memref<1x128xi32, #tpu.memory_space<vmem>>
    %dma_start3A_19 = tpu.memref_squeeze %dma_start3A_18 : memref<1x128xi32, #tpu.memory_space<vmem>> -> memref<128xi32, #tpu.memory_space<vmem>>
    %dma_start3A_20 = arith.constant 0 : i32
    %dma_start3A_21 = arith.constant 0 : i32
    %dma_start3A_22 = tpu.memref_slice %arg3[%dma_start3A_20, %dma_start3A_21] : memref<1000000x128xf32, #tpu.memory_space<hbm>> -> memref<1000000x128xf32, #tpu.memory_space<hbm>>
    tpu.enqueue_indirect_dma source(%dma_start3A_22 : memref<1000000x128xf32, #tpu.memory_space<hbm>>) target(%arg8 : memref<128x128xf32, #tpu.memory_space<vmem>>) offsets(%dma_start3A_19 : memref<128xi32, #tpu.memory_space<vmem>>) semaphore(%arg14 : memref<!tpu.dma_semaphore, #tpu.memory_space<semaphore_mem>>)
    %dma_start3A_23 = arith.constant 3 : i32
    %dma_start3A_24 = arith.constant 0 : i32
    %dma_start3A_25 = tpu.memref_slice %arg5[%dma_start3A_23, %dma_start3A_24] : memref<200x128xi32, #tpu.memory_space<vmem>> -> memref<1x128xi32, #tpu.memory_space<vmem>>
    %dma_start3A_26 = tpu.memref_squeeze %dma_start3A_25 : memref<1x128xi32, #tpu.memory_space<vmem>> -> memref<128xi32, #tpu.memory_space<vmem>>
    %dma_start3A_27 = arith.constant 0 : i32
    %dma_start3A_28 = arith.constant 0 : i32
    %dma_start3A_29 = tpu.memref_slice %arg3[%dma_start3A_27, %dma_start3A_28] : memref<1000000x128xf32, #tpu.memory_space<hbm>> -> memref<1000000x128xf32, #tpu.memory_space<hbm>>
    tpu.enqueue_indirect_dma source(%dma_start3A_29 : memref<1000000x128xf32, #tpu.memory_space<hbm>>) target(%arg9 : memref<128x128xf32, #tpu.memory_space<vmem>>) offsets(%dma_start3A_26 : memref<128xi32, #tpu.memory_space<vmem>>) semaphore(%arg15 : memref<!tpu.dma_semaphore, #tpu.memory_space<semaphore_mem>>)
    %scan3A = arith.constant 0 : i32
    %scan3A_30 = arith.constant 50 : i32
    %scan3A_31 = arith.addi %scan3A, %scan3A_30 : i32
    %scan3A_32 = arith.constant 1 : i32
    scf.for %scan3A_47 = %scan3A to %scan3A_31 step %scan3A_32  : i32 {
      %mul3A_48 = arith.constant 4 : i32
      %mul3A_49 = arith.muli %scan3A_47, %mul3A_48 : i32
      %add3A_50 = arith.constant 0 : i32
      %add3A_51 = arith.addi %add3A_50, %mul3A_49 : i32
      %add3A_52 = arith.constant 0 : i32
      %add3A_53 = arith.addi %add3A_51, %add3A_52 : i32
      %dma_wait3A_54 = arith.constant 0 : i32
      %dma_wait3A_55 = tpu.memref_slice %arg5[%add3A_53, %dma_wait3A_54] : memref<200x128xi32, #tpu.memory_space<vmem>> -> memref<1x128xi32, #tpu.memory_space<vmem>>
      %dma_wait3A_56 = tpu.memref_squeeze %dma_wait3A_55 : memref<1x128xi32, #tpu.memory_space<vmem>> -> memref<128xi32, #tpu.memory_space<vmem>>
      %dma_wait3A_57 = arith.constant 0 : i32
      %dma_wait3A_58 = arith.constant 0 : i32
      %dma_wait3A_59 = tpu.memref_slice %arg3[%dma_wait3A_57, %dma_wait3A_58] : memref<1000000x128xf32, #tpu.memory_space<hbm>> -> memref<1000000x128xf32, #tpu.memory_space<hbm>>
      tpu.wait_indirect_dma semaphore(%arg12 : memref<!tpu.dma_semaphore, #tpu.memory_space<semaphore_mem>>) src(%dma_wait3A_59 : memref<1000000x128xf32, #tpu.memory_space<hbm>>) dst(%arg6 : memref<128x128xf32, #tpu.memory_space<vmem>>)
      %ge3A = arith.constant 2 : i32
      %ge3A_60 = arith.cmpi sge, %add3A_53, %ge3A : i32
      %convert_element_type3A = arith.extui %ge3A_60 : i1 to i32
      %cond3A = arith.constant 0 : i32
      %cond3A_61 = arith.cmpi ne, %convert_element_type3A, %cond3A : i32
      scf.if %cond3A_61 {
        %sub3A = arith.constant 2 : i32
        %sub3A_164 = arith.subi %add3A_53, %sub3A : i32
        %dma_wait3A_165 = arith.constant 0 : i32
        %dma_wait3A_166 = tpu.memref_slice %arg4[%sub3A_164, %mul3A_2, %dma_wait3A_165] : memref<200x4096x64xf32, #tpu.memory_space<hbm>> -> memref<1x128x64xf32, #tpu.memory_space<hbm>>
        %dma_wait3A_167 = tpu.memref_squeeze %dma_wait3A_166 : memref<1x128x64xf32, #tpu.memory_space<hbm>> -> memref<128x64xf32, #tpu.memory_space<hbm>>
        %dma_wait3A_168 = arith.constant 0 : i32
        %dma_wait3A_169 = tpu.memref_slice %arg4[%sub3A_164, %mul3A_2, %dma_wait3A_168] : memref<200x4096x64xf32, #tpu.memory_space<hbm>> -> memref<1x128x64xf32, #tpu.memory_space<hbm>>
        %dma_wait3A_170 = tpu.memref_squeeze %dma_wait3A_169 : memref<1x128x64xf32, #tpu.memory_space<hbm>> -> memref<128x64xf32, #tpu.memory_space<hbm>>
        tpu.wait_dma2 semaphore(%arg16 : memref<!tpu.dma_semaphore, #tpu.memory_space<semaphore_mem>>) src(%arg10 : memref<128x64xf32, #tpu.memory_space<vmem>>) dst(%dma_wait3A_170 : memref<128x64xf32, #tpu.memory_space<hbm>>)
      } else {
      }
      %scan3A_62 = arith.constant 0 : i32
      %scan3A_63 = arith.constant 128 : i32
      %scan3A_64 = arith.addi %scan3A_62, %scan3A_63 : i32
      %scan3A_65 = arith.constant 1 : i32
      scf.for %scan3A_164 = %scan3A_62 to %scan3A_64 step %scan3A_65  : i32 {
        %mul3A_165 = arith.constant 1 : i32
        %mul3A_166 = arith.muli %scan3A_164, %mul3A_165 : i32
        %add3A_167 = arith.constant 0 : i32
        %add3A_168 = arith.addi %add3A_167, %mul3A_166 : i32
        %get3A = arith.index_cast %add3A_168 : i32 to index
        %get3A_169 = arith.constant 0 : index
        %get3A_170 = tpu.vector_load %arg6[%get3A, %get3A_169] {strides = array<i32>} : memref<128x128xf32, #tpu.memory_space<vmem>>, vector<1x16xf32>,
        %get3A_171 = vector.shape_cast %get3A_170 : vector<1x16xf32> to vector<16xf32>
        %mul3A_172 = arith.constant 8.000000e+00 : f32
        %mul3A_173 = vector.broadcast %mul3A_172 : f32 to vector<16xf32>
        %mul3A_174 = arith.mulf %get3A_171, %mul3A_173 : vector<16xf32>
        %swap3A = arith.index_cast %add3A_168 : i32 to index
        %swap3A_175 = arith.constant 0 : index
        %swap3A_176 = tpu.vector_load %arg10[%swap3A, %swap3A_175] {strides = array<i32>} : memref<128x64xf32, #tpu.memory_space<vmem>>, vector<1x16xf32>,
        %swap3A_177 = vector.shape_cast %swap3A_176 : vector<1x16xf32> to vector<16xf32>
        %swap3A_178 = vector.shape_cast %mul3A_174 : vector<16xf32> to vector<1x16xf32>
        tpu.vector_store %arg10[%swap3A, %swap3A_175], %swap3A_178 {strides = array<i32>} : memref<128x64xf32, #tpu.memory_space<vmem>>, vector<1x16xf32>,
        %get3A_179 = arith.index_cast %add3A_168 : i32 to index
        %get3A_180 = arith.constant 16 : index
        %get3A_181 = tpu.vector_load %arg6[%get3A_179, %get3A_180] {strides = array<i32>} : memref<128x128xf32, #tpu.memory_space<vmem>>, vector<1x16xf32>,
        %get3A_182 = vector.shape_cast %get3A_181 : vector<1x16xf32> to vector<16xf32>
        %mul3A_183 = arith.constant 8.000000e+00 : f32
        %mul3A_184 = vector.broadcast %mul3A_183 : f32 to vector<16xf32>
        %mul3A_185 = arith.mulf %get3A_182, %mul3A_184 : vector<16xf32>
        %swap3A_186 = arith.index_cast %add3A_168 : i32 to index
        %swap3A_187 = arith.constant 16 : index
        %swap3A_188 = tpu.vector_load %arg10[%swap3A_186, %swap3A_187] {strides = array<i32>} : memref<128x64xf32, #tpu.memory_space<vmem>>, vector<1x16xf32>,
        %swap3A_189 = vector.shape_cast %swap3A_188 : vector<1x16xf32> to vector<16xf32>
        %swap3A_190 = vector.shape_cast %mul3A_185 : vector<16xf32> to vector<1x16xf32>
        tpu.vector_store %arg10[%swap3A_186, %swap3A_187], %swap3A_190 {strides = array<i32>} : memref<128x64xf32, #tpu.memory_space<vmem>>, vector<1x16xf32>,
        %get3A_191 = arith.index_cast %add3A_168 : i32 to index
        %get3A_192 = arith.constant 32 : index
        %get3A_193 = tpu.vector_load %arg6[%get3A_191, %get3A_192] {strides = array<i32>} : memref<128x128xf32, #tpu.memory_space<vmem>>, vector<1x16xf32>,
        %get3A_194 = vector.shape_cast %get3A_193 : vector<1x16xf32> to vector<16xf32>
        %mul3A_195 = arith.constant 8.000000e+00 : f32
        %mul3A_196 = vector.broadcast %mul3A_195 : f32 to vector<16xf32>
        %mul3A_197 = arith.mulf %get3A_194, %mul3A_196 : vector<16xf32>
        %swap3A_198 = arith.index_cast %add3A_168 : i32 to index
        %swap3A_199 = arith.constant 32 : index
        %swap3A_200 = tpu.vector_load %arg10[%swap3A_198, %swap3A_199] {strides = array<i32>} : memref<128x64xf32, #tpu.memory_space<vmem>>, vector<1x16xf32>,
        %swap3A_201 = vector.shape_cast %swap3A_200 : vector<1x16xf32> to vector<16xf32>
        %swap3A_202 = vector.shape_cast %mul3A_197 : vector<16xf32> to vector<1x16xf32>
        tpu.vector_store %arg10[%swap3A_198, %swap3A_199], %swap3A_202 {strides = array<i32>} : memref<128x64xf32, #tpu.memory_space<vmem>>, vector<1x16xf32>,
        %get3A_203 = arith.index_cast %add3A_168 : i32 to index
        %get3A_204 = arith.constant 48 : index
        %get3A_205 = tpu.vector_load %arg6[%get3A_203, %get3A_204] {strides = array<i32>} : memref<128x128xf32, #tpu.memory_space<vmem>>, vector<1x16xf32>,
        %get3A_206 = vector.shape_cast %get3A_205 : vector<1x16xf32> to vector<16xf32>
        %mul3A_207 = arith.constant 8.000000e+00 : f32
        %mul3A_208 = vector.broadcast %mul3A_207 : f32 to vector<16xf32>
        %mul3A_209 = arith.mulf %get3A_206, %mul3A_208 : vector<16xf32>
        %swap3A_210 = arith.index_cast %add3A_168 : i32 to index
        %swap3A_211 = arith.constant 48 : index
        %swap3A_212 = tpu.vector_load %arg10[%swap3A_210, %swap3A_211] {strides = array<i32>} : memref<128x64xf32, #tpu.memory_space<vmem>>, vector<1x16xf32>,
        %swap3A_213 = vector.shape_cast %swap3A_212 : vector<1x16xf32> to vector<16xf32>
        %swap3A_214 = vector.shape_cast %mul3A_209 : vector<16xf32> to vector<1x16xf32>
        tpu.vector_store %arg10[%swap3A_210, %swap3A_211], %swap3A_214 {strides = array<i32>} : memref<128x64xf32, #tpu.memory_space<vmem>>, vector<1x16xf32>,
      }
      %scan3A_66 = arith.constant 128 : i32
      %dma_start3A_67 = arith.constant 0 : i32
      %dma_start3A_68 = tpu.memref_slice %arg4[%add3A_53, %mul3A_2, %dma_start3A_67] : memref<200x4096x64xf32, #tpu.memory_space<hbm>> -> memref<1x128x64xf32, #tpu.memory_space<hbm>>
      %dma_start3A_69 = tpu.memref_squeeze %dma_start3A_68 : memref<1x128x64xf32, #tpu.memory_space<hbm>> -> memref<128x64xf32, #tpu.memory_space<hbm>>
      %dma_start3A_70 = arith.constant 0 : i32
      %dma_start3A_71 = tpu.memref_slice %arg4[%add3A_53, %mul3A_2, %dma_start3A_70] : memref<200x4096x64xf32, #tpu.memory_space<hbm>> -> memref<1x128x64xf32, #tpu.memory_space<hbm>>
      %dma_start3A_72 = tpu.memref_squeeze %dma_start3A_71 : memref<1x128x64xf32, #tpu.memory_space<hbm>> -> memref<128x64xf32, #tpu.memory_space<hbm>>
      tpu.enqueue_dma source(%arg10 : memref<128x64xf32, #tpu.memory_space<vmem>>) target(%dma_start3A_72 : memref<128x64xf32, #tpu.memory_space<hbm>>) target_semaphore(%arg16 : memref<!tpu.dma_semaphore, #tpu.memory_space<semaphore_mem>>)
      %lt3A = arith.constant 196 : i32
      %lt3A_73 = arith.cmpi slt, %add3A_53, %lt3A : i32
      %convert_element_type3A_74 = arith.extui %lt3A_73 : i1 to i32
      %cond3A_75 = arith.constant 0 : i32
      %cond3A_76 = arith.cmpi ne, %convert_element_type3A_74, %cond3A_75 : i32
      scf.if %cond3A_76 {
        %add3A_164 = arith.constant 4 : i32
        %add3A_165 = arith.addi %add3A_53, %add3A_164 : i32
        %dma_start3A_166 = arith.constant 0 : i32
        %dma_start3A_167 = tpu.memref_slice %arg5[%add3A_165, %dma_start3A_166] : memref<200x128xi32, #tpu.memory_space<vmem>> -> memref<1x128xi32, #tpu.memory_space<vmem>>
        %dma_start3A_168 = tpu.memref_squeeze %dma_start3A_167 : memref<1x128xi32, #tpu.memory_space<vmem>> -> memref<128xi32, #tpu.memory_space<vmem>>
        %dma_start3A_169 = arith.constant 0 : i32
        %dma_start3A_170 = arith.constant 0 : i32
        %dma_start3A_171 = tpu.memref_slice %arg3[%dma_start3A_169, %dma_start3A_170] : memref<1000000x128xf32, #tpu.memory_space<hbm>> -> memref<1000000x128xf32, #tpu.memory_space<hbm>>
        tpu.enqueue_indirect_dma source(%dma_start3A_171 : memref<1000000x128xf32, #tpu.memory_space<hbm>>) target(%arg6 : memref<128x128xf32, #tpu.memory_space<vmem>>) offsets(%dma_start3A_168 : memref<128xi32, #tpu.memory_space<vmem>>) semaphore(%arg12 : memref<!tpu.dma_semaphore, #tpu.memory_space<semaphore_mem>>)
      } else {
      }
      %add3A_77 = arith.constant 1 : i32
      %add3A_78 = arith.addi %add3A_51, %add3A_77 : i32
      %dma_wait3A_79 = arith.constant 0 : i32
      %dma_wait3A_80 = tpu.memref_slice %arg5[%add3A_78, %dma_wait3A_79] : memref<200x128xi32, #tpu.memory_space<vmem>> -> memref<1x128xi32, #tpu.memory_space<vmem>>
      %dma_wait3A_81 = tpu.memref_squeeze %dma_wait3A_80 : memref<1x128xi32, #tpu.memory_space<vmem>> -> memref<128xi32, #tpu.memory_space<vmem>>
      %dma_wait3A_82 = arith.constant 0 : i32
      %dma_wait3A_83 = arith.constant 0 : i32
      %dma_wait3A_84 = tpu.memref_slice %arg3[%dma_wait3A_82, %dma_wait3A_83] : memref<1000000x128xf32, #tpu.memory_space<hbm>> -> memref<1000000x128xf32, #tpu.memory_space<hbm>>
      tpu.wait_indirect_dma semaphore(%arg13 : memref<!tpu.dma_semaphore, #tpu.memory_space<semaphore_mem>>) src(%dma_wait3A_84 : memref<1000000x128xf32, #tpu.memory_space<hbm>>) dst(%arg7 : memref<128x128xf32, #tpu.memory_space<vmem>>)
      %ge3A_85 = arith.constant 2 : i32
      %ge3A_86 = arith.cmpi sge, %add3A_78, %ge3A_85 : i32
      %convert_element_type3A_87 = arith.extui %ge3A_86 : i1 to i32
      %cond3A_88 = arith.constant 0 : i32
      %cond3A_89 = arith.cmpi ne, %convert_element_type3A_87, %cond3A_88 : i32
      scf.if %cond3A_89 {
        %sub3A = arith.constant 2 : i32
        %sub3A_164 = arith.subi %add3A_78, %sub3A : i32
        %dma_wait3A_165 = arith.constant 0 : i32
        %dma_wait3A_166 = tpu.memref_slice %arg4[%sub3A_164, %mul3A_2, %dma_wait3A_165] : memref<200x4096x64xf32, #tpu.memory_space<hbm>> -> memref<1x128x64xf32, #tpu.memory_space<hbm>>
        %dma_wait3A_167 = tpu.memref_squeeze %dma_wait3A_166 : memref<1x128x64xf32, #tpu.memory_space<hbm>> -> memref<128x64xf32, #tpu.memory_space<hbm>>
        %dma_wait3A_168 = arith.constant 0 : i32
        %dma_wait3A_169 = tpu.memref_slice %arg4[%sub3A_164, %mul3A_2, %dma_wait3A_168] : memref<200x4096x64xf32, #tpu.memory_space<hbm>> -> memref<1x128x64xf32, #tpu.memory_space<hbm>>
        %dma_wait3A_170 = tpu.memref_squeeze %dma_wait3A_169 : memref<1x128x64xf32, #tpu.memory_space<hbm>> -> memref<128x64xf32, #tpu.memory_space<hbm>>
        tpu.wait_dma2 semaphore(%arg17 : memref<!tpu.dma_semaphore, #tpu.memory_space<semaphore_mem>>) src(%arg11 : memref<128x64xf32, #tpu.memory_space<vmem>>) dst(%dma_wait3A_170 : memref<128x64xf32, #tpu.memory_space<hbm>>)
      } else {
      }
      %scan3A_90 = arith.constant 0 : i32
      %scan3A_91 = arith.constant 128 : i32
      %scan3A_92 = arith.addi %scan3A_90, %scan3A_91 : i32
      %scan3A_93 = arith.constant 1 : i32
      scf.for %scan3A_164 = %scan3A_90 to %scan3A_92 step %scan3A_93  : i32 {
        %mul3A_165 = arith.constant 1 : i32
        %mul3A_166 = arith.muli %scan3A_164, %mul3A_165 : i32
        %add3A_167 = arith.constant 0 : i32
        %add3A_168 = arith.addi %add3A_167, %mul3A_166 : i32
        %get3A = arith.index_cast %add3A_168 : i32 to index
        %get3A_169 = arith.constant 0 : index
        %get3A_170 = tpu.vector_load %arg7[%get3A, %get3A_169] {strides = array<i32>} : memref<128x128xf32, #tpu.memory_space<vmem>>, vector<1x16xf32>,
        %get3A_171 = vector.shape_cast %get3A_170 : vector<1x16xf32> to vector<16xf32>
        %mul3A_172 = arith.constant 8.000000e+00 : f32
        %mul3A_173 = vector.broadcast %mul3A_172 : f32 to vector<16xf32>
        %mul3A_174 = arith.mulf %get3A_171, %mul3A_173 : vector<16xf32>
        %swap3A = arith.index_cast %add3A_168 : i32 to index
        %swap3A_175 = arith.constant 0 : index
        %swap3A_176 = tpu.vector_load %arg11[%swap3A, %swap3A_175] {strides = array<i32>} : memref<128x64xf32, #tpu.memory_space<vmem>>, vector<1x16xf32>,
        %swap3A_177 = vector.shape_cast %swap3A_176 : vector<1x16xf32> to vector<16xf32>
        %swap3A_178 = vector.shape_cast %mul3A_174 : vector<16xf32> to vector<1x16xf32>
        tpu.vector_store %arg11[%swap3A, %swap3A_175], %swap3A_178 {strides = array<i32>} : memref<128x64xf32, #tpu.memory_space<vmem>>, vector<1x16xf32>,
        %get3A_179 = arith.index_cast %add3A_168 : i32 to index
        %get3A_180 = arith.constant 16 : index
        %get3A_181 = tpu.vector_load %arg7[%get3A_179, %get3A_180] {strides = array<i32>} : memref<128x128xf32, #tpu.memory_space<vmem>>, vector<1x16xf32>,
        %get3A_182 = vector.shape_cast %get3A_181 : vector<1x16xf32> to vector<16xf32>
        %mul3A_183 = arith.constant 8.000000e+00 : f32
        %mul3A_184 = vector.broadcast %mul3A_183 : f32 to vector<16xf32>
        %mul3A_185 = arith.mulf %get3A_182, %mul3A_184 : vector<16xf32>
        %swap3A_186 = arith.index_cast %add3A_168 : i32 to index
        %swap3A_187 = arith.constant 16 : index
        %swap3A_188 = tpu.vector_load %arg11[%swap3A_186, %swap3A_187] {strides = array<i32>} : memref<128x64xf32, #tpu.memory_space<vmem>>, vector<1x16xf32>,
        %swap3A_189 = vector.shape_cast %swap3A_188 : vector<1x16xf32> to vector<16xf32>
        %swap3A_190 = vector.shape_cast %mul3A_185 : vector<16xf32> to vector<1x16xf32>
        tpu.vector_store %arg11[%swap3A_186, %swap3A_187], %swap3A_190 {strides = array<i32>} : memref<128x64xf32, #tpu.memory_space<vmem>>, vector<1x16xf32>,
        %get3A_191 = arith.index_cast %add3A_168 : i32 to index
        %get3A_192 = arith.constant 32 : index
        %get3A_193 = tpu.vector_load %arg7[%get3A_191, %get3A_192] {strides = array<i32>} : memref<128x128xf32, #tpu.memory_space<vmem>>, vector<1x16xf32>,
        %get3A_194 = vector.shape_cast %get3A_193 : vector<1x16xf32> to vector<16xf32>
        %mul3A_195 = arith.constant 8.000000e+00 : f32
        %mul3A_196 = vector.broadcast %mul3A_195 : f32 to vector<16xf32>
        %mul3A_197 = arith.mulf %get3A_194, %mul3A_196 : vector<16xf32>
        %swap3A_198 = arith.index_cast %add3A_168 : i32 to index
        %swap3A_199 = arith.constant 32 : index
        %swap3A_200 = tpu.vector_load %arg11[%swap3A_198, %swap3A_199] {strides = array<i32>} : memref<128x64xf32, #tpu.memory_space<vmem>>, vector<1x16xf32>,
        %swap3A_201 = vector.shape_cast %swap3A_200 : vector<1x16xf32> to vector<16xf32>
        %swap3A_202 = vector.shape_cast %mul3A_197 : vector<16xf32> to vector<1x16xf32>
        tpu.vector_store %arg11[%swap3A_198, %swap3A_199], %swap3A_202 {strides = array<i32>} : memref<128x64xf32, #tpu.memory_space<vmem>>, vector<1x16xf32>,
        %get3A_203 = arith.index_cast %add3A_168 : i32 to index
        %get3A_204 = arith.constant 48 : index
        %get3A_205 = tpu.vector_load %arg7[%get3A_203, %get3A_204] {strides = array<i32>} : memref<128x128xf32, #tpu.memory_space<vmem>>, vector<1x16xf32>,
        %get3A_206 = vector.shape_cast %get3A_205 : vector<1x16xf32> to vector<16xf32>
        %mul3A_207 = arith.constant 8.000000e+00 : f32
        %mul3A_208 = vector.broadcast %mul3A_207 : f32 to vector<16xf32>
        %mul3A_209 = arith.mulf %get3A_206, %mul3A_208 : vector<16xf32>
        %swap3A_210 = arith.index_cast %add3A_168 : i32 to index
        %swap3A_211 = arith.constant 48 : index
        %swap3A_212 = tpu.vector_load %arg11[%swap3A_210, %swap3A_211] {strides = array<i32>} : memref<128x64xf32, #tpu.memory_space<vmem>>, vector<1x16xf32>,
        %swap3A_213 = vector.shape_cast %swap3A_212 : vector<1x16xf32> to vector<16xf32>
        %swap3A_214 = vector.shape_cast %mul3A_209 : vector<16xf32> to vector<1x16xf32>
        tpu.vector_store %arg11[%swap3A_210, %swap3A_211], %swap3A_214 {strides = array<i32>} : memref<128x64xf32, #tpu.memory_space<vmem>>, vector<1x16xf32>,
      }
      %scan3A_94 = arith.constant 128 : i32
      %dma_start3A_95 = arith.constant 0 : i32
      %dma_start3A_96 = tpu.memref_slice %arg4[%add3A_78, %mul3A_2, %dma_start3A_95] : memref<200x4096x64xf32, #tpu.memory_space<hbm>> -> memref<1x128x64xf32, #tpu.memory_space<hbm>>
      %dma_start3A_97 = tpu.memref_squeeze %dma_start3A_96 : memref<1x128x64xf32, #tpu.memory_space<hbm>> -> memref<128x64xf32, #tpu.memory_space<hbm>>
      %dma_start3A_98 = arith.constant 0 : i32
      %dma_start3A_99 = tpu.memref_slice %arg4[%add3A_78, %mul3A_2, %dma_start3A_98] : memref<200x4096x64xf32, #tpu.memory_space<hbm>> -> memref<1x128x64xf32, #tpu.memory_space<hbm>>
      %dma_start3A_100 = tpu.memref_squeeze %dma_start3A_99 : memref<1x128x64xf32, #tpu.memory_space<hbm>> -> memref<128x64xf32, #tpu.memory_space<hbm>>
      tpu.enqueue_dma source(%arg11 : memref<128x64xf32, #tpu.memory_space<vmem>>) target(%dma_start3A_100 : memref<128x64xf32, #tpu.memory_space<hbm>>) target_semaphore(%arg17 : memref<!tpu.dma_semaphore, #tpu.memory_space<semaphore_mem>>)
      %lt3A_101 = arith.constant 196 : i32
      %lt3A_102 = arith.cmpi slt, %add3A_78, %lt3A_101 : i32
      %convert_element_type3A_103 = arith.extui %lt3A_102 : i1 to i32
      %cond3A_104 = arith.constant 0 : i32
      %cond3A_105 = arith.cmpi ne, %convert_element_type3A_103, %cond3A_104 : i32
      scf.if %cond3A_105 {
        %add3A_164 = arith.constant 4 : i32
        %add3A_165 = arith.addi %add3A_78, %add3A_164 : i32
        %dma_start3A_166 = arith.constant 0 : i32
        %dma_start3A_167 = tpu.memref_slice %arg5[%add3A_165, %dma_start3A_166] : memref<200x128xi32, #tpu.memory_space<vmem>> -> memref<1x128xi32, #tpu.memory_space<vmem>>
        %dma_start3A_168 = tpu.memref_squeeze %dma_start3A_167 : memref<1x128xi32, #tpu.memory_space<vmem>> -> memref<128xi32, #tpu.memory_space<vmem>>
        %dma_start3A_169 = arith.constant 0 : i32
        %dma_start3A_170 = arith.constant 0 : i32
        %dma_start3A_171 = tpu.memref_slice %arg3[%dma_start3A_169, %dma_start3A_170] : memref<1000000x128xf32, #tpu.memory_space<hbm>> -> memref<1000000x128xf32, #tpu.memory_space<hbm>>
        tpu.enqueue_indirect_dma source(%dma_start3A_171 : memref<1000000x128xf32, #tpu.memory_space<hbm>>) target(%arg7 : memref<128x128xf32, #tpu.memory_space<vmem>>) offsets(%dma_start3A_168 : memref<128xi32, #tpu.memory_space<vmem>>) semaphore(%arg13 : memref<!tpu.dma_semaphore, #tpu.memory_space<semaphore_mem>>)
      } else {
      }
      %add3A_106 = arith.constant 2 : i32
      %add3A_107 = arith.addi %add3A_51, %add3A_106 : i32
      %dma_wait3A_108 = arith.constant 0 : i32
      %dma_wait3A_109 = tpu.memref_slice %arg5[%add3A_107, %dma_wait3A_108] : memref<200x128xi32, #tpu.memory_space<vmem>> -> memref<1x128xi32, #tpu.memory_space<vmem>>
      %dma_wait3A_110 = tpu.memref_squeeze %dma_wait3A_109 : memref<1x128xi32, #tpu.memory_space<vmem>> -> memref<128xi32, #tpu.memory_space<vmem>>
      %dma_wait3A_111 = arith.constant 0 : i32
      %dma_wait3A_112 = arith.constant 0 : i32
      %dma_wait3A_113 = tpu.memref_slice %arg3[%dma_wait3A_111, %dma_wait3A_112] : memref<1000000x128xf32, #tpu.memory_space<hbm>> -> memref<1000000x128xf32, #tpu.memory_space<hbm>>
      tpu.wait_indirect_dma semaphore(%arg14 : memref<!tpu.dma_semaphore, #tpu.memory_space<semaphore_mem>>) src(%dma_wait3A_113 : memref<1000000x128xf32, #tpu.memory_space<hbm>>) dst(%arg8 : memref<128x128xf32, #tpu.memory_space<vmem>>)
      %ge3A_114 = arith.constant 2 : i32
      %ge3A_115 = arith.cmpi sge, %add3A_107, %ge3A_114 : i32
      %convert_element_type3A_116 = arith.extui %ge3A_115 : i1 to i32
      %cond3A_117 = arith.constant 0 : i32
      %cond3A_118 = arith.cmpi ne, %convert_element_type3A_116, %cond3A_117 : i32
      scf.if %cond3A_118 {
        %sub3A = arith.constant 2 : i32
        %sub3A_164 = arith.subi %add3A_107, %sub3A : i32
        %dma_wait3A_165 = arith.constant 0 : i32
        %dma_wait3A_166 = tpu.memref_slice %arg4[%sub3A_164, %mul3A_2, %dma_wait3A_165] : memref<200x4096x64xf32, #tpu.memory_space<hbm>> -> memref<1x128x64xf32, #tpu.memory_space<hbm>>
        %dma_wait3A_167 = tpu.memref_squeeze %dma_wait3A_166 : memref<1x128x64xf32, #tpu.memory_space<hbm>> -> memref<128x64xf32, #tpu.memory_space<hbm>>
        %dma_wait3A_168 = arith.constant 0 : i32
        %dma_wait3A_169 = tpu.memref_slice %arg4[%sub3A_164, %mul3A_2, %dma_wait3A_168] : memref<200x4096x64xf32, #tpu.memory_space<hbm>> -> memref<1x128x64xf32, #tpu.memory_space<hbm>>
        %dma_wait3A_170 = tpu.memref_squeeze %dma_wait3A_169 : memref<1x128x64xf32, #tpu.memory_space<hbm>> -> memref<128x64xf32, #tpu.memory_space<hbm>>
        tpu.wait_dma2 semaphore(%arg16 : memref<!tpu.dma_semaphore, #tpu.memory_space<semaphore_mem>>) src(%arg10 : memref<128x64xf32, #tpu.memory_space<vmem>>) dst(%dma_wait3A_170 : memref<128x64xf32, #tpu.memory_space<hbm>>)
      } else {
      }
      %scan3A_119 = arith.constant 0 : i32
      %scan3A_120 = arith.constant 128 : i32
      %scan3A_121 = arith.addi %scan3A_119, %scan3A_120 : i32
      %scan3A_122 = arith.constant 1 : i32
      scf.for %scan3A_164 = %scan3A_119 to %scan3A_121 step %scan3A_122  : i32 {
        %mul3A_165 = arith.constant 1 : i32
        %mul3A_166 = arith.muli %scan3A_164, %mul3A_165 : i32
        %add3A_167 = arith.constant 0 : i32
        %add3A_168 = arith.addi %add3A_167, %mul3A_166 : i32
        %get3A = arith.index_cast %add3A_168 : i32 to index
        %get3A_169 = arith.constant 0 : index
        %get3A_170 = tpu.vector_load %arg8[%get3A, %get3A_169] {strides = array<i32>} : memref<128x128xf32, #tpu.memory_space<vmem>>, vector<1x16xf32>,
        %get3A_171 = vector.shape_cast %get3A_170 : vector<1x16xf32> to vector<16xf32>
        %mul3A_172 = arith.constant 8.000000e+00 : f32
        %mul3A_173 = vector.broadcast %mul3A_172 : f32 to vector<16xf32>
        %mul3A_174 = arith.mulf %get3A_171, %mul3A_173 : vector<16xf32>
        %swap3A = arith.index_cast %add3A_168 : i32 to index
        %swap3A_175 = arith.constant 0 : index
        %swap3A_176 = tpu.vector_load %arg10[%swap3A, %swap3A_175] {strides = array<i32>} : memref<128x64xf32, #tpu.memory_space<vmem>>, vector<1x16xf32>,
        %swap3A_177 = vector.shape_cast %swap3A_176 : vector<1x16xf32> to vector<16xf32>
        %swap3A_178 = vector.shape_cast %mul3A_174 : vector<16xf32> to vector<1x16xf32>
        tpu.vector_store %arg10[%swap3A, %swap3A_175], %swap3A_178 {strides = array<i32>} : memref<128x64xf32, #tpu.memory_space<vmem>>, vector<1x16xf32>,
        %get3A_179 = arith.index_cast %add3A_168 : i32 to index
        %get3A_180 = arith.constant 16 : index
        %get3A_181 = tpu.vector_load %arg8[%get3A_179, %get3A_180] {strides = array<i32>} : memref<128x128xf32, #tpu.memory_space<vmem>>, vector<1x16xf32>,
        %get3A_182 = vector.shape_cast %get3A_181 : vector<1x16xf32> to vector<16xf32>
        %mul3A_183 = arith.constant 8.000000e+00 : f32
        %mul3A_184 = vector.broadcast %mul3A_183 : f32 to vector<16xf32>
        %mul3A_185 = arith.mulf %get3A_182, %mul3A_184 : vector<16xf32>
        %swap3A_186 = arith.index_cast %add3A_168 : i32 to index
        %swap3A_187 = arith.constant 16 : index
        %swap3A_188 = tpu.vector_load %arg10[%swap3A_186, %swap3A_187] {strides = array<i32>} : memref<128x64xf32, #tpu.memory_space<vmem>>, vector<1x16xf32>,
        %swap3A_189 = vector.shape_cast %swap3A_188 : vector<1x16xf32> to vector<16xf32>
        %swap3A_190 = vector.shape_cast %mul3A_185 : vector<16xf32> to vector<1x16xf32>
        tpu.vector_store %arg10[%swap3A_186, %swap3A_187], %swap3A_190 {strides = array<i32>} : memref<128x64xf32, #tpu.memory_space<vmem>>, vector<1x16xf32>,
        %get3A_191 = arith.index_cast %add3A_168 : i32 to index
        %get3A_192 = arith.constant 32 : index
        %get3A_193 = tpu.vector_load %arg8[%get3A_191, %get3A_192] {strides = array<i32>} : memref<128x128xf32, #tpu.memory_space<vmem>>, vector<1x16xf32>,
        %get3A_194 = vector.shape_cast %get3A_193 : vector<1x16xf32> to vector<16xf32>
        %mul3A_195 = arith.constant 8.000000e+00 : f32
        %mul3A_196 = vector.broadcast %mul3A_195 : f32 to vector<16xf32>
        %mul3A_197 = arith.mulf %get3A_194, %mul3A_196 : vector<16xf32>
        %swap3A_198 = arith.index_cast %add3A_168 : i32 to index
        %swap3A_199 = arith.constant 32 : index
        %swap3A_200 = tpu.vector_load %arg10[%swap3A_198, %swap3A_199] {strides = array<i32>} : memref<128x64xf32, #tpu.memory_space<vmem>>, vector<1x16xf32>,
        %swap3A_201 = vector.shape_cast %swap3A_200 : vector<1x16xf32> to vector<16xf32>
        %swap3A_202 = vector.shape_cast %mul3A_197 : vector<16xf32> to vector<1x16xf32>
        tpu.vector_store %arg10[%swap3A_198, %swap3A_199], %swap3A_202 {strides = array<i32>} : memref<128x64xf32, #tpu.memory_space<vmem>>, vector<1x16xf32>,
        %get3A_203 = arith.index_cast %add3A_168 : i32 to index
        %get3A_204 = arith.constant 48 : index
        %get3A_205 = tpu.vector_load %arg8[%get3A_203, %get3A_204] {strides = array<i32>} : memref<128x128xf32, #tpu.memory_space<vmem>>, vector<1x16xf32>,
        %get3A_206 = vector.shape_cast %get3A_205 : vector<1x16xf32> to vector<16xf32>
        %mul3A_207 = arith.constant 8.000000e+00 : f32
        %mul3A_208 = vector.broadcast %mul3A_207 : f32 to vector<16xf32>
        %mul3A_209 = arith.mulf %get3A_206, %mul3A_208 : vector<16xf32>
        %swap3A_210 = arith.index_cast %add3A_168 : i32 to index
        %swap3A_211 = arith.constant 48 : index
        %swap3A_212 = tpu.vector_load %arg10[%swap3A_210, %swap3A_211] {strides = array<i32>} : memref<128x64xf32, #tpu.memory_space<vmem>>, vector<1x16xf32>,
        %swap3A_213 = vector.shape_cast %swap3A_212 : vector<1x16xf32> to vector<16xf32>
        %swap3A_214 = vector.shape_cast %mul3A_209 : vector<16xf32> to vector<1x16xf32>
        tpu.vector_store %arg10[%swap3A_210, %swap3A_211], %swap3A_214 {strides = array<i32>} : memref<128x64xf32, #tpu.memory_space<vmem>>, vector<1x16xf32>,
      }
      %scan3A_123 = arith.constant 128 : i32
      %dma_start3A_124 = arith.constant 0 : i32
      %dma_start3A_125 = tpu.memref_slice %arg4[%add3A_107, %mul3A_2, %dma_start3A_124] : memref<200x4096x64xf32, #tpu.memory_space<hbm>> -> memref<1x128x64xf32, #tpu.memory_space<hbm>>
      %dma_start3A_126 = tpu.memref_squeeze %dma_start3A_125 : memref<1x128x64xf32, #tpu.memory_space<hbm>> -> memref<128x64xf32, #tpu.memory_space<hbm>>
      %dma_start3A_127 = arith.constant 0 : i32
      %dma_start3A_128 = tpu.memref_slice %arg4[%add3A_107, %mul3A_2, %dma_start3A_127] : memref<200x4096x64xf32, #tpu.memory_space<hbm>> -> memref<1x128x64xf32, #tpu.memory_space<hbm>>
      %dma_start3A_129 = tpu.memref_squeeze %dma_start3A_128 : memref<1x128x64xf32, #tpu.memory_space<hbm>> -> memref<128x64xf32, #tpu.memory_space<hbm>>
      tpu.enqueue_dma source(%arg10 : memref<128x64xf32, #tpu.memory_space<vmem>>) target(%dma_start3A_129 : memref<128x64xf32, #tpu.memory_space<hbm>>) target_semaphore(%arg16 : memref<!tpu.dma_semaphore, #tpu.memory_space<semaphore_mem>>)
      %lt3A_130 = arith.constant 196 : i32
      %lt3A_131 = arith.cmpi slt, %add3A_107, %lt3A_130 : i32
      %convert_element_type3A_132 = arith.extui %lt3A_131 : i1 to i32
      %cond3A_133 = arith.constant 0 : i32
      %cond3A_134 = arith.cmpi ne, %convert_element_type3A_132, %cond3A_133 : i32
      scf.if %cond3A_134 {
        %add3A_164 = arith.constant 4 : i32
        %add3A_165 = arith.addi %add3A_107, %add3A_164 : i32
        %dma_start3A_166 = arith.constant 0 : i32
        %dma_start3A_167 = tpu.memref_slice %arg5[%add3A_165, %dma_start3A_166] : memref<200x128xi32, #tpu.memory_space<vmem>> -> memref<1x128xi32, #tpu.memory_space<vmem>>
        %dma_start3A_168 = tpu.memref_squeeze %dma_start3A_167 : memref<1x128xi32, #tpu.memory_space<vmem>> -> memref<128xi32, #tpu.memory_space<vmem>>
        %dma_start3A_169 = arith.constant 0 : i32
        %dma_start3A_170 = arith.constant 0 : i32
        %dma_start3A_171 = tpu.memref_slice %arg3[%dma_start3A_169, %dma_start3A_170] : memref<1000000x128xf32, #tpu.memory_space<hbm>> -> memref<1000000x128xf32, #tpu.memory_space<hbm>>
        tpu.enqueue_indirect_dma source(%dma_start3A_171 : memref<1000000x128xf32, #tpu.memory_space<hbm>>) target(%arg8 : memref<128x128xf32, #tpu.memory_space<vmem>>) offsets(%dma_start3A_168 : memref<128xi32, #tpu.memory_space<vmem>>) semaphore(%arg14 : memref<!tpu.dma_semaphore, #tpu.memory_space<semaphore_mem>>)
      } else {
      }
      %add3A_135 = arith.constant 3 : i32
      %add3A_136 = arith.addi %add3A_51, %add3A_135 : i32
      %dma_wait3A_137 = arith.constant 0 : i32
      %dma_wait3A_138 = tpu.memref_slice %arg5[%add3A_136, %dma_wait3A_137] : memref<200x128xi32, #tpu.memory_space<vmem>> -> memref<1x128xi32, #tpu.memory_space<vmem>>
      %dma_wait3A_139 = tpu.memref_squeeze %dma_wait3A_138 : memref<1x128xi32, #tpu.memory_space<vmem>> -> memref<128xi32, #tpu.memory_space<vmem>>
      %dma_wait3A_140 = arith.constant 0 : i32
      %dma_wait3A_141 = arith.constant 0 : i32
      %dma_wait3A_142 = tpu.memref_slice %arg3[%dma_wait3A_140, %dma_wait3A_141] : memref<1000000x128xf32, #tpu.memory_space<hbm>> -> memref<1000000x128xf32, #tpu.memory_space<hbm>>
      tpu.wait_indirect_dma semaphore(%arg15 : memref<!tpu.dma_semaphore, #tpu.memory_space<semaphore_mem>>) src(%dma_wait3A_142 : memref<1000000x128xf32, #tpu.memory_space<hbm>>) dst(%arg9 : memref<128x128xf32, #tpu.memory_space<vmem>>)
      %ge3A_143 = arith.constant 2 : i32
      %ge3A_144 = arith.cmpi sge, %add3A_136, %ge3A_143 : i32
      %convert_element_type3A_145 = arith.extui %ge3A_144 : i1 to i32
      %cond3A_146 = arith.constant 0 : i32
      %cond3A_147 = arith.cmpi ne, %convert_element_type3A_145, %cond3A_146 : i32
      scf.if %cond3A_147 {
        %sub3A = arith.constant 2 : i32
        %sub3A_164 = arith.subi %add3A_136, %sub3A : i32
        %dma_wait3A_165 = arith.constant 0 : i32
        %dma_wait3A_166 = tpu.memref_slice %arg4[%sub3A_164, %mul3A_2, %dma_wait3A_165] : memref<200x4096x64xf32, #tpu.memory_space<hbm>> -> memref<1x128x64xf32, #tpu.memory_space<hbm>>
        %dma_wait3A_167 = tpu.memref_squeeze %dma_wait3A_166 : memref<1x128x64xf32, #tpu.memory_space<hbm>> -> memref<128x64xf32, #tpu.memory_space<hbm>>
        %dma_wait3A_168 = arith.constant 0 : i32
        %dma_wait3A_169 = tpu.memref_slice %arg4[%sub3A_164, %mul3A_2, %dma_wait3A_168] : memref<200x4096x64xf32, #tpu.memory_space<hbm>> -> memref<1x128x64xf32, #tpu.memory_space<hbm>>
        %dma_wait3A_170 = tpu.memref_squeeze %dma_wait3A_169 : memref<1x128x64xf32, #tpu.memory_space<hbm>> -> memref<128x64xf32, #tpu.memory_space<hbm>>
        tpu.wait_dma2 semaphore(%arg17 : memref<!tpu.dma_semaphore, #tpu.memory_space<semaphore_mem>>) src(%arg11 : memref<128x64xf32, #tpu.memory_space<vmem>>) dst(%dma_wait3A_170 : memref<128x64xf32, #tpu.memory_space<hbm>>)
      } else {
      }
      %scan3A_148 = arith.constant 0 : i32
      %scan3A_149 = arith.constant 128 : i32
      %scan3A_150 = arith.addi %scan3A_148, %scan3A_149 : i32
      %scan3A_151 = arith.constant 1 : i32
      scf.for %scan3A_164 = %scan3A_148 to %scan3A_150 step %scan3A_151  : i32 {
        %mul3A_165 = arith.constant 1 : i32
        %mul3A_166 = arith.muli %scan3A_164, %mul3A_165 : i32
        %add3A_167 = arith.constant 0 : i32
        %add3A_168 = arith.addi %add3A_167, %mul3A_166 : i32
        %get3A = arith.index_cast %add3A_168 : i32 to index
        %get3A_169 = arith.constant 0 : index
        %get3A_170 = tpu.vector_load %arg9[%get3A, %get3A_169] {strides = array<i32>} : memref<128x128xf32, #tpu.memory_space<vmem>>, vector<1x16xf32>,
        %get3A_171 = vector.shape_cast %get3A_170 : vector<1x16xf32> to vector<16xf32>
        %mul3A_172 = arith.constant 8.000000e+00 : f32
        %mul3A_173 = vector.broadcast %mul3A_172 : f32 to vector<16xf32>
        %mul3A_174 = arith.mulf %get3A_171, %mul3A_173 : vector<16xf32>
        %swap3A = arith.index_cast %add3A_168 : i32 to index
        %swap3A_175 = arith.constant 0 : index
        %swap3A_176 = tpu.vector_load %arg11[%swap3A, %swap3A_175] {strides = array<i32>} : memref<128x64xf32, #tpu.memory_space<vmem>>, vector<1x16xf32>,
        %swap3A_177 = vector.shape_cast %swap3A_176 : vector<1x16xf32> to vector<16xf32>
        %swap3A_178 = vector.shape_cast %mul3A_174 : vector<16xf32> to vector<1x16xf32>
        tpu.vector_store %arg11[%swap3A, %swap3A_175], %swap3A_178 {strides = array<i32>} : memref<128x64xf32, #tpu.memory_space<vmem>>, vector<1x16xf32>,
        %get3A_179 = arith.index_cast %add3A_168 : i32 to index
        %get3A_180 = arith.constant 16 : index
        %get3A_181 = tpu.vector_load %arg9[%get3A_179, %get3A_180] {strides = array<i32>} : memref<128x128xf32, #tpu.memory_space<vmem>>, vector<1x16xf32>,
        %get3A_182 = vector.shape_cast %get3A_181 : vector<1x16xf32> to vector<16xf32>
        %mul3A_183 = arith.constant 8.000000e+00 : f32
        %mul3A_184 = vector.broadcast %mul3A_183 : f32 to vector<16xf32>
        %mul3A_185 = arith.mulf %get3A_182, %mul3A_184 : vector<16xf32>
        %swap3A_186 = arith.index_cast %add3A_168 : i32 to index
        %swap3A_187 = arith.constant 16 : index
        %swap3A_188 = tpu.vector_load %arg11[%swap3A_186, %swap3A_187] {strides = array<i32>} : memref<128x64xf32, #tpu.memory_space<vmem>>, vector<1x16xf32>,
        %swap3A_189 = vector.shape_cast %swap3A_188 : vector<1x16xf32> to vector<16xf32>
        %swap3A_190 = vector.shape_cast %mul3A_185 : vector<16xf32> to vector<1x16xf32>
        tpu.vector_store %arg11[%swap3A_186, %swap3A_187], %swap3A_190 {strides = array<i32>} : memref<128x64xf32, #tpu.memory_space<vmem>>, vector<1x16xf32>,
        %get3A_191 = arith.index_cast %add3A_168 : i32 to index
        %get3A_192 = arith.constant 32 : index
        %get3A_193 = tpu.vector_load %arg9[%get3A_191, %get3A_192] {strides = array<i32>} : memref<128x128xf32, #tpu.memory_space<vmem>>, vector<1x16xf32>,
        %get3A_194 = vector.shape_cast %get3A_193 : vector<1x16xf32> to vector<16xf32>
        %mul3A_195 = arith.constant 8.000000e+00 : f32
        %mul3A_196 = vector.broadcast %mul3A_195 : f32 to vector<16xf32>
        %mul3A_197 = arith.mulf %get3A_194, %mul3A_196 : vector<16xf32>
        %swap3A_198 = arith.index_cast %add3A_168 : i32 to index
        %swap3A_199 = arith.constant 32 : index
        %swap3A_200 = tpu.vector_load %arg11[%swap3A_198, %swap3A_199] {strides = array<i32>} : memref<128x64xf32, #tpu.memory_space<vmem>>, vector<1x16xf32>,
        %swap3A_201 = vector.shape_cast %swap3A_200 : vector<1x16xf32> to vector<16xf32>
        %swap3A_202 = vector.shape_cast %mul3A_197 : vector<16xf32> to vector<1x16xf32>
        tpu.vector_store %arg11[%swap3A_198, %swap3A_199], %swap3A_202 {strides = array<i32>} : memref<128x64xf32, #tpu.memory_space<vmem>>, vector<1x16xf32>,
        %get3A_203 = arith.index_cast %add3A_168 : i32 to index
        %get3A_204 = arith.constant 48 : index
        %get3A_205 = tpu.vector_load %arg9[%get3A_203, %get3A_204] {strides = array<i32>} : memref<128x128xf32, #tpu.memory_space<vmem>>, vector<1x16xf32>,
        %get3A_206 = vector.shape_cast %get3A_205 : vector<1x16xf32> to vector<16xf32>
        %mul3A_207 = arith.constant 8.000000e+00 : f32
        %mul3A_208 = vector.broadcast %mul3A_207 : f32 to vector<16xf32>
        %mul3A_209 = arith.mulf %get3A_206, %mul3A_208 : vector<16xf32>
        %swap3A_210 = arith.index_cast %add3A_168 : i32 to index
        %swap3A_211 = arith.constant 48 : index
        %swap3A_212 = tpu.vector_load %arg11[%swap3A_210, %swap3A_211] {strides = array<i32>} : memref<128x64xf32, #tpu.memory_space<vmem>>, vector<1x16xf32>,
        %swap3A_213 = vector.shape_cast %swap3A_212 : vector<1x16xf32> to vector<16xf32>
        %swap3A_214 = vector.shape_cast %mul3A_209 : vector<16xf32> to vector<1x16xf32>
        tpu.vector_store %arg11[%swap3A_210, %swap3A_211], %swap3A_214 {strides = array<i32>} : memref<128x64xf32, #tpu.memory_space<vmem>>, vector<1x16xf32>,
      }
      %scan3A_152 = arith.constant 128 : i32
      %dma_start3A_153 = arith.constant 0 : i32
      %dma_start3A_154 = tpu.memref_slice %arg4[%add3A_136, %mul3A_2, %dma_start3A_153] : memref<200x4096x64xf32, #tpu.memory_space<hbm>> -> memref<1x128x64xf32, #tpu.memory_space<hbm>>
      %dma_start3A_155 = tpu.memref_squeeze %dma_start3A_154 : memref<1x128x64xf32, #tpu.memory_space<hbm>> -> memref<128x64xf32, #tpu.memory_space<hbm>>
      %dma_start3A_156 = arith.constant 0 : i32
      %dma_start3A_157 = tpu.memref_slice %arg4[%add3A_136, %mul3A_2, %dma_start3A_156] : memref<200x4096x64xf32, #tpu.memory_space<hbm>> -> memref<1x128x64xf32, #tpu.memory_space<hbm>>
      %dma_start3A_158 = tpu.memref_squeeze %dma_start3A_157 : memref<1x128x64xf32, #tpu.memory_space<hbm>> -> memref<128x64xf32, #tpu.memory_space<hbm>>
      tpu.enqueue_dma source(%arg11 : memref<128x64xf32, #tpu.memory_space<vmem>>) target(%dma_start3A_158 : memref<128x64xf32, #tpu.memory_space<hbm>>) target_semaphore(%arg17 : memref<!tpu.dma_semaphore, #tpu.memory_space<semaphore_mem>>)
      %lt3A_159 = arith.constant 196 : i32
      %lt3A_160 = arith.cmpi slt, %add3A_136, %lt3A_159 : i32
      %convert_element_type3A_161 = arith.extui %lt3A_160 : i1 to i32
      %cond3A_162 = arith.constant 0 : i32
      %cond3A_163 = arith.cmpi ne, %convert_element_type3A_161, %cond3A_162 : i32
      scf.if %cond3A_163 {
        %add3A_164 = arith.constant 4 : i32
        %add3A_165 = arith.addi %add3A_136, %add3A_164 : i32
        %dma_start3A_166 = arith.constant 0 : i32
        %dma_start3A_167 = tpu.memref_slice %arg5[%add3A_165, %dma_start3A_166] : memref<200x128xi32, #tpu.memory_space<vmem>> -> memref<1x128xi32, #tpu.memory_space<vmem>>
        %dma_start3A_168 = tpu.memref_squeeze %dma_start3A_167 : memref<1x128xi32, #tpu.memory_space<vmem>> -> memref<128xi32, #tpu.memory_space<vmem>>
        %dma_start3A_169 = arith.constant 0 : i32
        %dma_start3A_170 = arith.constant 0 : i32
        %dma_start3A_171 = tpu.memref_slice %arg3[%dma_start3A_169, %dma_start3A_170] : memref<1000000x128xf32, #tpu.memory_space<hbm>> -> memref<1000000x128xf32, #tpu.memory_space<hbm>>
        tpu.enqueue_indirect_dma source(%dma_start3A_171 : memref<1000000x128xf32, #tpu.memory_space<hbm>>) target(%arg9 : memref<128x128xf32, #tpu.memory_space<vmem>>) offsets(%dma_start3A_168 : memref<128xi32, #tpu.memory_space<vmem>>) semaphore(%arg15 : memref<!tpu.dma_semaphore, #tpu.memory_space<semaphore_mem>>)
      } else {
      }
    }
    %scan3A_33 = arith.constant 50 : i32
    %dma_wait3A = arith.constant 198 : i32
    %dma_wait3A_34 = arith.constant 0 : i32
    %dma_wait3A_35 = tpu.memref_slice %arg4[%dma_wait3A, %mul3A_2, %dma_wait3A_34] : memref<200x4096x64xf32, #tpu.memory_space<hbm>> -> memref<1x128x64xf32, #tpu.memory_space<hbm>>
    %dma_wait3A_36 = tpu.memref_squeeze %dma_wait3A_35 : memref<1x128x64xf32, #tpu.memory_space<hbm>> -> memref<128x64xf32, #tpu.memory_space<hbm>>
    %dma_wait3A_37 = arith.constant 0 : i32
    %dma_wait3A_38 = tpu.memref_slice %arg4[%dma_wait3A, %mul3A_2, %dma_wait3A_37] : memref<200x4096x64xf32, #tpu.memory_space<hbm>> -> memref<1x128x64xf32, #tpu.memory_space<hbm>>
    %dma_wait3A_39 = tpu.memref_squeeze %dma_wait3A_38 : memref<1x128x64xf32, #tpu.memory_space<hbm>> -> memref<128x64xf32, #tpu.memory_space<hbm>>
    tpu.wait_dma2 semaphore(%arg16 : memref<!tpu.dma_semaphore, #tpu.memory_space<semaphore_mem>>) src(%arg10 : memref<128x64xf32, #tpu.memory_space<vmem>>) dst(%dma_wait3A_39 : memref<128x64xf32, #tpu.memory_space<hbm>>)
    %dma_wait3A_40 = arith.constant 199 : i32
    %dma_wait3A_41 = arith.constant 0 : i32
    %dma_wait3A_42 = tpu.memref_slice %arg4[%dma_wait3A_40, %mul3A_2, %dma_wait3A_41] : memref<200x4096x64xf32, #tpu.memory_space<hbm>> -> memref<1x128x64xf32, #tpu.memory_space<hbm>>
    %dma_wait3A_43 = tpu.memref_squeeze %dma_wait3A_42 : memref<1x128x64xf32, #tpu.memory_space<hbm>> -> memref<128x64xf32, #tpu.memory_space<hbm>>
    %dma_wait3A_44 = arith.constant 0 : i32
    %dma_wait3A_45 = tpu.memref_slice %arg4[%dma_wait3A_40, %mul3A_2, %dma_wait3A_44] : memref<200x4096x64xf32, #tpu.memory_space<hbm>> -> memref<1x128x64xf32, #tpu.memory_space<hbm>>
    %dma_wait3A_46 = tpu.memref_squeeze %dma_wait3A_45 : memref<1x128x64xf32, #tpu.memory_space<hbm>> -> memref<128x64xf32, #tpu.memory_space<hbm>>
    tpu.wait_dma2 semaphore(%arg17 : memref<!tpu.dma_semaphore, #tpu.memory_space<semaphore_mem>>) src(%arg11 : memref<128x64xf32, #tpu.memory_space<vmem>>) dst(%dma_wait3A_46 : memref<128x64xf32, #tpu.memory_space<hbm>>)
    return
  }
}

</mosaic_0001>

<sc_bundles>
// kernel: kernel.3.cloned.1.call-start
scs
__scs_entry_jumppad:
0x0: {  	(pc) =	sbr.rel $0x88, $3  }
0x1: {  	(tag) =	ssettag $0x0;
	lr =	simm.s32 $0x1  }
0x2: {  	[smem:$0x3F9F] =	sst lr;
	_ =	strace $0xD0000000  }
0x3: {  	_ = 	snop  }
0x4: {  	_ = 	snop  }
0x5: {  	_ = 	snop  }
0x6: {  	_ = 	snop  }
0x7: {  	_ = 	snop  }
__scs_overlays_trampoline_lowered:
0x8: {  	[smem:$0x3FAE] =	sst s0  }
0x9: {  	[smem:$0x3FAF] =	sst s1  }
0xa: {  	[smem:$0x3FB0] =	sst s2  }
0xb: {  	[smem:$0x3FB1] =	sst s3  }
0xc: {  	[smem:$0x3FB2] =	sst s4  }
0xd: {  	[smem:$0x3FB3] =	sst s5  }
0xe: {  	[smem:$0x3FB4] =	sst s6  }
0xf: {  	[smem:$0x3FB5] =	sst s7  }
0x10: {  	[smem:$0x3FB6] =	sst s8  }
0x11: {  	[smem:$0x3FB7] =	sst s9;
	s0 =	simm.s32 @!p0 $0x0  }
0x12: {  	s1 =	sld [smem:$0x3F9D];
	s0 =	simm.s32 @p0 $0x1  }
0x13: {  	[smem:$0x3FB8] =	sst s0;
	s0 =	simm.s32 @!p1 $0x0  }
0x14: {  	s2 =	sld [smem:$0x3F9C];
	s0 =	simm.s32 @p1 $0x1  }
0x15: {  	[smem:$0x3FB9] =	sst s0;
	s0 =	simm.s32 @!p2 $0x0  }
0x16: {  	s3 =	sld [smem:$0x3FDB];
	s0 =	simm.s32 @p2 $0x1  }
0x17: {  	s4 =	simm.s32 $0x1BF5;
	[smem:$0x3FBB] =	sst s0  }
0x18: {  	s0 =	sld [smem:$0x3F9E];
	_ =	swait.ge [sflag:s4], $0x0  }
0x19: {  	s7 =	sld [smem:$0x3F9F]  }
0x1a: {  	s8 =	sadd.s32 $0xFFFFE003, lr  }
0x1b: {  	s9 =	sadd.s32 $0xFFFFFEF7, lr;
	s5 =	simm.s32 $0xFFFFFFFF;
	p2 =	slt.u32 s8, $0xFFFFF086  }
0x1c: {  	p1 =	slt.u32 s9, $0xF7A;
	s5 =	simm.s32 @!p2 $0x0  }
0x1d: {  	s5 =	simm.s32 @p1 $0x1;
	p0 =	seq.s32 s7, s2  }
0x1e: {  	s7 =	smul.u32 @!p0 $0xF7A, s2;
	p2 =	seq.s32 @!p0 s5, $0x0  }
0x1f: {  	s9 =	smul.u32 $0xF7A, s1;
	s8 =	simm.s32 @!p0 $0x1BF5;
	p2 =	por !p2, p0  }
0x20: {  	[sflag:s8] =	ssyncset.s32 @!p0 $0xFFFFF086;
	s6 =	sadd.s32 @!p0 s3, s7;
	s7 =	simm.s32 @!p0 $0x108  }
0x21: {  	s3 =	sadd.s32 s3, s9;
	s6 =	sadd.s32 @!p0 $0x88, s6;
	s7 =	simm.s32 @p2 $0x1082  }
0x22: {  	[simem:s7], [sflag:s8] =	dma.local @!p0 [hbm:s6], $0xF7A  }
0x23: {  	s9 =	sor.u32 $0xD0000000, s2;
	s6 =	simm.s32 $0x108;
	_ =	swait.ge @!p0 [sflag:s8], $0x0  }
0x24: {  	s3 =	sadd.s32 $0x88, s3;
	s6 =	simm.s32 @!p1 $0x1082;
	[sflag:s4] =	ssyncset.s32 $0xFFFFF086  }
0x25: {  	[simem:s6], [sflag:s4] =	dma.local [hbm:s3], $0xF7A  }
0x26: {  	[smem:$0x3F9F] =	sst s1;
	(tag) =	ssettag s2;
	_ =	strace s9  }
0x27: {  	s1 =	sld [smem:$0x3FAF]  }
0x28: {  	s2 =	sld [smem:$0x3FB0]  }
0x29: {  	s4 =	sld [smem:$0x3FB2]  }
0x2a: {  	p0 =	seq.s32 s5, $0x0;
	s5 =	sld [smem:$0x3FB3]  }
0x2b: {  	s6 =	sld [smem:$0x3FB4]  }
0x2c: {  	s7 =	sld [smem:$0x3FB5]  }
0x2d: {  	s3 =	simm.s32 $0x108;
	s8 =	sld [smem:$0x3FB6]  }
0x2e: {  	s3 =	simm.s32 @!p0 $0x1082;
	s9 =	sld [smem:$0x3FB7]  }
0x2f: {  	lr =	sadd.s32 s0, s3;
	s0 =	sld [smem:$0x3FAE]  }
0x30: {  	s3 =	sld [smem:$0x3FB1]  }
0x31: {  	[smem:$0x3FBA] =	sst s10  }
0x32: {  	s10 =	sld [smem:$0x3FB8];
	_ =	sdelay $0x3  }
0x33: {  	p0 =	seq.s32 s10, $0x1;
	s10 =	sld [smem:$0x3FBA];
	_ =	sdelay $0x3  }
0x34: {  	[smem:$0x3FBA] =	sst s10  }
0x35: {  	s10 =	sld [smem:$0x3FB9];
	_ =	sdelay $0x3  }
0x36: {  	p1 =	seq.s32 s10, $0x1;
	s10 =	sld [smem:$0x3FBA];
	_ =	sdelay $0x3  }
0x37: {  	[smem:$0x3FBA] =	sst s10  }
0x38: {  	s10 =	sld [smem:$0x3FBB]  }
0x39: {  	_ = 	snop;
	(pc) =	sbr.ind lr, $3  }
0x3a: {  	_ = 	snop  }
0x3b: {  	_ = 	snop  }
0x3c: {  	p2 =	seq.s32 s10, $0x1;
	s10 =	sld [smem:$0x3FBA]  }
0x3d: {  	_ =	shalt  }
0x3e: {  	_ =	shalt  }
0x3f: {  	_ =	shalt  }
0x40: {  	_ =	shalt  }
0x41: {  	_ =	shalt  }
0x42: {  	_ =	shalt  }
0x43: {  	_ =	shalt  }
0x44: {  	_ =	shalt  }
0x45: {  	_ =	shalt  }
0x46: {  	_ =	shalt  }
0x47: {  	_ =	shalt  }
0x48: {  	_ =	shalt  }
0x49: {  	_ =	shalt  }
0x4a: {  	_ =	shalt  }
0x4b: {  	_ =	shalt  }
0x4c: {  	_ =	shalt  }
0x4d: {  	_ =	shalt  }
0x4e: {  	_ =	shalt  }
0x4f: {  	_ =	shalt  }
0x50: {  	_ =	shalt  }
0x51: {  	_ =	shalt  }
0x52: {  	_ =	shalt  }
0x53: {  	_ =	shalt  }
0x54: {  	_ =	shalt  }
0x55: {  	_ =	shalt  }
0x56: {  	_ =	shalt  }
0x57: {  	_ =	shalt  }
0x58: {  	_ =	shalt  }
0x59: {  	_ =	shalt  }
0x5a: {  	_ =	shalt  }
0x5b: {  	_ =	shalt  }
0x5c: {  	_ =	shalt  }
0x5d: {  	_ =	shalt  }
0x5e: {  	_ =	shalt  }
0x5f: {  	_ =	shalt  }
0x60: {  	_ =	shalt  }
0x61: {  	_ =	shalt  }
0x62: {  	_ =	shalt  }
0x63: {  	_ =	shalt  }
0x64: {  	_ =	shalt  }
0x65: {  	_ =	shalt  }
0x66: {  	_ =	shalt  }
0x67: {  	_ =	shalt  }
0x68: {  	_ =	shalt  }
0x69: {  	_ =	shalt  }
0x6a: {  	_ =	shalt  }
0x6b: {  	_ =	shalt  }
0x6c: {  	_ =	shalt  }
0x6d: {  	_ =	shalt  }
0x6e: {  	_ =	shalt  }
0x6f: {  	_ =	shalt  }
0x70: {  	_ =	shalt  }
0x71: {  	_ =	shalt  }
0x72: {  	_ =	shalt  }
0x73: {  	_ =	shalt  }
0x74: {  	_ =	shalt  }
0x75: {  	_ =	shalt  }
0x76: {  	_ =	shalt  }
0x77: {  	_ =	shalt  }
0x78: {  	_ =	shalt  }
0x79: {  	_ =	shalt  }
0x7a: {  	_ =	shalt  }
0x7b: {  	_ =	shalt  }
0x7c: {  	_ =	shalt  }
0x7d: {  	_ =	shalt  }
0x7e: {  	_ =	shalt  }
0x7f: {  	_ =	shalt  }
0x80: {  	_ =	shalt  }
0x81: {  	_ =	shalt  }
0x82: {  	_ =	shalt  }
0x83: {  	_ =	shalt  }
0x84: {  	_ =	shalt  }
0x85: {  	_ =	shalt  }
0x86: {  	_ =	shalt  }
0x87: {  	_ =	shalt  }
.Lfunc_end0:
.L_simem_size_0:
called_computation_lowered:
.L_overlay_start_0:
0x88: {  	s2 =	sld [smem:$0x3FD9]  }
0x89: {  	s3 =	sld [smem:$0x3FFE];
	_ =	sdelay $0x1  }
0x8a: {  	s1 =	srdreg.scid  }
0x8b: {  	s0 =	sand.u32 $0x1, s1  }
0x8c: {  	s17 =	sshll.u32 s0, $0xA;
	s2 =	sadd.s32 s3, s2  }
0x8d: {  	s2 =	sadd.s32 s2, s17  }
0x8e: {  	[smem:$0x3FC6] =	sst s2  }
0x8f: {  	_ = 	snop  }
0x90: {  	s2 =	sld [smem:$0x3FC9];
	(tm) =	ssettm $0x1  }
0x91: {  	s18 =	sld [smem:$0x3FFB];
	_ =	sdelay $0x3  }
0x92: {  	_ =	strace s18  }
0x93: {  	s3 =	sld [smem:$0x3FFC];
	_ =	sdelay $0x3  }
0x94: {  	_ =	strace s3  }
0x95: {  	s3 =	sld [smem:$0x3FFD];
	_ =	sdelay $0x3  }
0x96: {  	_ =	strace s3  }
0x97: {  	_ =	strace $0x8FFFFFFF  }
0x98: {  	s19 =	sld [smem:$0x3FDB];
	_ =	sdelay $0x1  }
0x99: {  	s4 =	simm.s32 $_scs_section_size  }
0x9a: {  	s5 =	simm.s32 $_size__tile_overlayer_lowered;
	s6 =	simm.s32 $_tile_overlayer_lowered  }
0x9b: {  	s22 =	simm.s32 $0x1BFF;
	s21 =	sshll.u32 s6, $0x1;
	s3 =	sadd.s32 s4, s19  }
0x9c: {  	s7 =	simm.s32 $0x0;
	s20 =	sshll.u32 s5, $0x1;
	s5 =	sadd.s32 s21, s3  }
0x9d: {  	[timem:s7], [sflag:s22] =	dma.local [hbm:s5], s20  }
0x9e: {  	_ =	swait.ge [sflag:s22], s20  }
0x9f: {  	s4 =	ssub.s32 $0x0, s20;
	[sflag:s22] =	ssyncset.done $0x0  }
0xa0: {  	[sflag:s22] =	ssyncadd.s32 s4;
	_ =	sdelay $0x1  }
0xa1: {  	s23 =	simm.s32 $0x1B8B  }
0xa2: {  	_ =	swait.ge [sflag:s23], $0x1  }
0xa3: {  	[sflag:s23] =	ssyncset.done $0x0  }
0xa4: {  	s25 =	simm.s32 $0x1B8E;
	s24 =	sld [smem:$0x3FFE];
	[sflag:s23] =	ssyncadd.s32 $0xFFFFFFFF  }
0xa5: {  	s26 =	simm.s32 $execute0_lowered;
	[smem:$0x3FD2] =	sst s25  }
0xa6: {  	s5 =	sshll.u32 s26, $0x1;
	_ =	strace $0x80000046;
	[dreg:$0x1] =	wrdreg $0xFFFFFFFF  }
0xa7: {  	s28 =	simm.s32 $_size_execute0_lowered;
	s3 =	sadd.s32 s3, s5;
	[dreg:$0x0] =	wrdreg $0x0  }
0xa8: {  	s5 =	sshll.u32 s28, $0x1;
	[dreg:$0x2] =	wrdreg s3  }
0xa9: {  	[dreg:$0x3] =	wrdreg s5  }
0xaa: {  	[dreg:$0x4] =	wrdreg $0xC0  }
0xab: {  	_ =	task [dreg:s7], $0x5FFFF  }
0xac: {  	[dreg:$0x1] =	wrdreg $0xFFFFFFFF  }
0xad: {  	[dreg:$0x0] =	wrdreg $0x60  }
0xae: {  	[dreg:$0x2] =	wrdreg s2  }
0xaf: {  	[dreg:$0x3] =	wrdreg s24  }
0xb0: {  	[dreg:$0x4] =	wrdreg $0x9  }
0xb1: {  	_ =	task.clear_ibuf [dreg:s7], $0x5FFFF;
	_ =	strace $0x90000046  }
0xb2: {  	s29 =	simm.s32 $0x9;
	_ =	strace $0x80000048  }
0xb3: {  	_ =	swait.ge [sflag:s29], $0x1  }
0xb4: {  	[sflag:s29] =	ssyncadd.s32 $0xFFFFFFFF  }
0xb5: {  	_ =	strace $0x90000048  }
0xb6: {  	_ =	sfence  }
0xb7: {  	s30 =	sld [smem:$0x0];
	_ =	sdelay $0x2  }
0xb8: {  	s31 =	sshll.u32 s1, $0xD;
	s1 =	sshrl.u32 s1, $0x2  }
0xb9: {  	s3 =	sand.u32 $0x4000, s31;
	s1 =	sadd.s32 s1, s30  }
0xba: {  	s0 =	sor.u32 s3, s0;
	s1 =	sshll.u32 s1, $0x11  }
0xbb: {  	s0 =	sor.u32 s1, s0  }
0xbc: {  	s0 =	sadd.s32 $0x8F2B, s0  }
0xbd: {  	[sflag:s0] =	ssyncadd.remote.s32 $0x1  }
0xbe: {  	_ =	sfence.sel $0xFFFF  }
0xbf: {  	[dreg:$0x0] =	wrdreg $0xFFFFFFFF;
	(pc) =	sbr.abs _section_cstart, $3  }
0xc0: {  	[dreg:$0x1] =	wrdreg $0xFFFFFFFF  }
0xc1: {  	_ =	task.clear_ibuf [dreg:s7], $0x2FFFF;
	_ =	strace $0x9FFFFFFF  }
0xc2: {  	(tm) =	ssettm $0x7FFFFFFF  }
0xc3: {  	_ =	shalt  }
tec
execute0_lowered:
.L_overlay_start_1:
0x0: {  	(tag) =	ssettag $0x1  }
0x1: {  	s0 =	rddreg [dreg:$0x0]  }
0x2: {  	s1 =	rddreg [dreg:$0x1];
	s2 =	simm.s32 $0x0  }
0x3: {  	s3 =	srdreg.scid;
	s4 =	stileid.u32;
	s13 =	simm.s32 $0x7  }
0x4: {  	s14 =	simm.s32 $0x80;
	s15 =	simm.s32 $0x6400;
	s17 =	simm.s32 $0x100  }
0x5: {  	s18 =	simm.s32 $0xE400;
	s19 =	simm.s32 $0x180;
	s20 =	simm.s32 $0x12400  }
0x6: {  	s21 =	simm.s32 $0x1;
	s22 =	simm.s32 $0x16400;
	s23 =	simm.s32 $0x2  }
0x7: {  	s24 =	simm.s32 $0x6;
	s25 =	simm.s32 $0x1A400;
	s26 =	simm.s32 $0x3  }
0x8: {  	s28 =	simm.s32 $0x5;
	s29 =	simm.s32 $0x4;
	s30 =	simm.s32 $0x0  }
0x9: {  	[smem:$0x7FF] =	sst s2;
	s3 =	sand.u32 $0x1, s3;
	s4 =	sshll.u32 s4, $0x8  }
.Ltmp0:
0xa: {  	s8 =	sadd.s32 $0x20400, s1;
	s9 =	sadd.s32 $0x30400, s1;
	(pc) =	sbr.rel .LBB2_1-.Ltmp0, $4  }
0xb: {  	_ =	strace $0x80000047;
	s5 =	ssub.s32 $0x2, s3;
	s6 =	sshll.u32 s3, $0x7  }
0xc: {  	s3 =	sadd.s32 $0xF42800, s1;
	s7 =	sshrl.u32 s5, $0x1;
	s6 =	sor.u32 s6, s4  }
0xd: {  	s4 =	sadd.s32 $0x400, s1;
	s10 =	ssub.s32 s5, s7;
	s5 =	sadd.s32 s0, s6  }
0xe: {  	s6 =	sshll.u32 s6, $0x4;
	s7 =	sadd.s32 $0x10400, s1;
	s10 =	smax.u32 s10, $0x1  }
.LBB2_16:
0xf: {  	s30 =	sadd.s32 $0x1, s30  }
0x10: {  	_ =	swait.ge [sflag:s28], $0x4000;
	p0 =	sne.s32 s30, s10  }
.Ltmp1:
0x11: {  	[sflag:s28] =	ssyncset.done $0x0;
	(pc) =	sbr.rel @!p0 .LBB2_17-.Ltmp1, $4  }
0x12: {  	[sflag:s28] =	ssyncadd.s32 $0xFFFFC000  }
0x13: {  	_ =	swait.ge [sflag:s24], $0x4000  }
0x14: {  	[sflag:s24] =	ssyncset.done $0x0  }
0x15: {  	[sflag:s24] =	ssyncadd.s32 $0xFFFFC000  }
.LBB2_1:
0x16: {  	s0 =	simm.s32 $0x400;
	s1 =	simm.s32 $0x8000  }
0x17: {  	[tilespmem:s2], [sflag:$0x7] =	stream.strided.gather [hbm4b:s5+s0], $0x6400, s1, s0, $0x38;
	[tilespmem:$0x1E400] =	vst v63  }
0x18: {  	_ =	swait.ge [sflag:s13], $0x6400  }
0x19: {  	[sflag:s13] =	ssyncset.done $0x0  }
0x1a: {  	[sflag:s13] =	ssyncadd.s32 $0xFFFF9C00  }
0x1b: {  	[tilespmem:s15], [sflag:$0x1] =	stream.indirect.gather [hbm4b:s3+s14], $0x80, s2, s14, $0xb8;
	[tilespmem:$0x1E400] =	vst v63  }
0x1c: {  	s16 =	simm.s32 $0xA400  }
0x1d: {  	[tilespmem:s16], [sflag:$0x2] =	stream.indirect.gather [hbm4b:s3+s14], $0x80, s14, s14, $0xb8;
	[tilespmem:$0x1E400] =	vst v63  }
0x1e: {  	_ = 	snop  }
0x1f: {  	[tilespmem:s18], [sflag:$0x3] =	stream.indirect.gather [hbm4b:s3+s14], $0x80, s17, s14, $0xb8;
	[tilespmem:$0x1E400] =	vst v63  }
0x20: {  	s31 =	simm.s32 $0x0  }
0x21: {  	[tilespmem:s20], [sflag:$0x4] =	stream.indirect.gather [hbm4b:s3+s14], $0x80, s19, s14, $0xb8;
	[tilespmem:$0x1E400] =	vst v63  }
.LBB2_2:
0x22: {  	_ =	swait.ge [sflag:s21], $0x4000  }
0x23: {  	p0 =	seq.s32 s31, $0x0;
	[sflag:s21] =	ssyncset.done $0x0  }
0x24: {  	s0 =	simm.s32 @!p0 $0x5;
	[sflag:s21] =	ssyncadd.s32 $0xFFFFC000  }
0x25: {  	_ =	swait.ge @!p0 [sflag:s0], $0x4000  }
0x26: {  	[sflag:s0] =	ssyncset.done @!p0 $0x0  }
0x27: {  	s1 =	simm.s32 $0x0;
	[sflag:s0] =	ssyncadd.s32 @!p0 $0xFFFFC000  }
0x28: {  	v1 =	vld [tilespmem:s1+$0x6430]  }
0x29: {  	v2 =	vld [tilespmem:s1+$0x6400]  }
0x2a: {  	v3 =	vld [tilespmem:s1+$0x6410]  }
0x2b: {  	v0 =	vld [tilespmem:s1+$0x6420]  }
0x2c: {  	s0 =	simm.s32 $0x200  }
.LBB2_3:
0x2d: {  	s11 =	sshra.s32 s0, $0x2;
	p1 =	sne.s32 s0, $0xFE00;
	s0 =	sadd.s32 $0x200, s0;
	v4 =	vmul.f32 $8.000000000e+00, v1  }
.Ltmp2:
0x2e: {  	v1 =	vld [tilespmem:s11+$0x6430];
	v5 =	vmul.f32 $8.000000000e+00, v2;
	(pc) =	sbr.rel @p1 .LBB2_3-.Ltmp2, $4  }
0x2f: {  	v2 =	vld [tilespmem:s11+$0x6400];
	v6 =	vmul.f32 $8.000000000e+00, v3;
	[tilespmem:s1+$0x16430] =	vst v4  }
0x30: {  	v3 =	vld [tilespmem:s11+$0x6410];
	[tilespmem:s1+$0x16400] =	vst v5;
	v4 =	vmul.f32 $8.000000000e+00, v0  }
0x31: {  	v0 =	vld [tilespmem:s11+$0x6420];
	[tilespmem:s1+$0x16410] =	vst v6  }
0x32: {  	[tilespmem:s1+$0x16420] =	vst v4;
	s1 =	smov.u32 s11  }
0x33: {  	v1 =	vmul.f32 $8.000000000e+00, v1  }
0x34: {  	p1 =	sne.s32 s31, $0x31;
	v2 =	vmul.f32 $8.000000000e+00, v2  }
.Ltmp3:
0x35: {  	v3 =	vmul.f32 $8.000000000e+00, v3;
	[tilespmem:s1+$0x16430] =	vst v1;
	(pc) =	sbr.rel @p1 .LBB2_6-.Ltmp3, $4  }
0x36: {  	s0 =	sshll.u32 s31, $0x12;
	[tilespmem:s1+$0x16400] =	vst v2;
	v0 =	vmul.f32 $8.000000000e+00, v0  }
0x37: {  	s0 =	sor.u32 s6, s0;
	[tilespmem:s1+$0x16410] =	vst v3  }
0x38: {  	s16 =	sadd.s32 s4, s0;
	[tilespmem:s1+$0x16420] =	vst v0  }
0x39: {  	[hbm4b:s16+s2] =	stream.linear.scatter [tilespmem:s22], [sflag:$0x5], $0x4000, $0x38;
	[tilespmem:$0x1E400] =	vst v63  }
.Ltmp4:
0x3a: {  	(pc) =	sbr.rel .LBB2_7-.Ltmp4, $4  }
0x3b: {  	_ = 	snop  }
0x3c: {  	_ =	swait.ge [sflag:s23], $0x4000  }
0x3d: {  	[sflag:s23] =	ssyncset.done $0x0  }
0x3e: {  	[sflag:s23] =	ssyncadd.s32 $0xFFFFC000  }
.LBB2_6:
0x3f: {  	s1 =	sshll.u32 s31, $0x9  }
0x40: {  	s1 =	sand.u32 $0x3FFFFE00, s1  }
.Ltmp5:
0x41: {  	s1 =	sadd.s32 $0x200, s1;
	(pc) =	sbr.rel @p0 .LBB2_8-.Ltmp5, $4  }
0x42: {  	[tilespmem:s15], [sflag:$0x1] =	stream.indirect.gather [hbm4b:s3+s14], $0x80, s1, s14, $0xb8;
	[tilespmem:$0x1E400] =	vst v63  }
0x43: {  	_ =	swait.ge [sflag:s23], $0x4000  }
0x44: {  	[sflag:s23] =	ssyncset.done $0x0  }
0x45: {  	[sflag:s23] =	ssyncadd.s32 $0xFFFFC000  }
.LBB2_7:
0x46: {  	_ =	swait.ge [sflag:s24], $0x4000  }
0x47: {  	[sflag:s24] =	ssyncset.done $0x0  }
0x48: {  	[sflag:s24] =	ssyncadd.s32 $0xFFFFC000  }
.LBB2_8:
0x49: {  	s1 =	simm.s32 $0x0  }
0x4a: {  	v1 =	vld [tilespmem:s1+$0xA430]  }
0x4b: {  	v2 =	vld [tilespmem:s1+$0xA400]  }
0x4c: {  	v3 =	vld [tilespmem:s1+$0xA410]  }
0x4d: {  	v0 =	vld [tilespmem:s1+$0xA420]  }
0x4e: {  	s11 =	simm.s32 $0x200  }
.LBB2_9:
0x4f: {  	s12 =	sshra.s32 s11, $0x2;
	p0 =	sne.s32 s11, $0xFE00;
	s11 =	sadd.s32 $0x200, s11;
	v4 =	vmul.f32 $8.000000000e+00, v1  }
.Ltmp6:
0x50: {  	v1 =	vld [tilespmem:s12+$0xA430];
	v5 =	vmul.f32 $8.000000000e+00, v2;
	(pc) =	sbr.rel @p0 .LBB2_9-.Ltmp6, $4  }
0x51: {  	v2 =	vld [tilespmem:s12+$0xA400];
	v6 =	vmul.f32 $8.000000000e+00, v3;
	[tilespmem:s1+$0x1A430] =	vst v4  }
0x52: {  	v3 =	vld [tilespmem:s12+$0xA410];
	[tilespmem:s1+$0x1A400] =	vst v5;
	v4 =	vmul.f32 $8.000000000e+00, v0  }
0x53: {  	v0 =	vld [tilespmem:s12+$0xA420];
	[tilespmem:s1+$0x1A410] =	vst v6  }
0x54: {  	[tilespmem:s1+$0x1A420] =	vst v4;
	s1 =	smov.u32 s12  }
0x55: {  	v1 =	vmul.f32 $8.000000000e+00, v1  }
0x56: {  	v2 =	vmul.f32 $8.000000000e+00, v2  }
0x57: {  	v3 =	vmul.f32 $8.000000000e+00, v3;
	[tilespmem:s1+$0x1A430] =	vst v1  }
0x58: {  	[tilespmem:s1+$0x1A400] =	vst v2;
	v0 =	vmul.f32 $8.000000000e+00, v0  }
0x59: {  	p0 =	seq.s32 s31, $0x31;
	[tilespmem:s1+$0x1A410] =	vst v3  }
0x5a: {  	s16 =	sadd.s32 s0, s7;
	[tilespmem:s1+$0x1A420] =	vst v0;
	s1 =	sshll.u32 @!p0 s31, $0x9  }
0x5b: {  	[hbm4b:s16+s2] =	stream.linear.scatter [tilespmem:s25], [sflag:$0x6], $0x4000, $0x38;
	[tilespmem:$0x1E400] =	vst v63  }
0x5c: {  	s1 =	sand.u32 @!p0 $0x3FFFFE00, s1  }
0x5d: {  	s12 =	simm.s32 @!p0 $0x80;
	s16 =	simm.s32 @!p0 $0xA400;
	s11 =	sadd.s32 @!p0 $0x280, s1  }
0x5e: {  	[tilespmem:s16], [sflag:$0x2] =	stream.indirect.gather @!p0 [hbm4b:s3+s12], $0x80, s11, s12, $0xb8;
	[tilespmem:$0x1E400] =	vst v63  }
0x5f: {  	_ =	swait.ge [sflag:s26], $0x4000  }
0x60: {  	[sflag:s26] =	ssyncset.done $0x0  }
0x61: {  	[sflag:s26] =	ssyncadd.s32 $0xFFFFC000  }
0x62: {  	_ =	swait.ge [sflag:s28], $0x4000  }
0x63: {  	[sflag:s28] =	ssyncset.done $0x0  }
0x64: {  	s11 =	simm.s32 $0x0;
	[sflag:s28] =	ssyncadd.s32 $0xFFFFC000  }
0x65: {  	v1 =	vld [tilespmem:s11+$0xE430]  }
0x66: {  	v2 =	vld [tilespmem:s11+$0xE400]  }
0x67: {  	v3 =	vld [tilespmem:s11+$0xE410]  }
0x68: {  	v0 =	vld [tilespmem:s11+$0xE420]  }
0x69: {  	s12 =	simm.s32 $0x200  }
.LBB2_11:
0x6a: {  	s16 =	sshra.s32 s12, $0x2;
	p1 =	sne.s32 s12, $0xFE00;
	s12 =	sadd.s32 $0x200, s12;
	v4 =	vmul.f32 $8.000000000e+00, v1  }
.Ltmp7:
0x6b: {  	v1 =	vld [tilespmem:s16+$0xE430];
	v5 =	vmul.f32 $8.000000000e+00, v2;
	(pc) =	sbr.rel @p1 .LBB2_11-.Ltmp7, $4  }
0x6c: {  	v2 =	vld [tilespmem:s16+$0xE400];
	v6 =	vmul.f32 $8.000000000e+00, v3;
	[tilespmem:s11+$0x16430] =	vst v4  }
0x6d: {  	v3 =	vld [tilespmem:s16+$0xE410];
	[tilespmem:s11+$0x16400] =	vst v5;
	v4 =	vmul.f32 $8.000000000e+00, v0  }
0x6e: {  	v0 =	vld [tilespmem:s16+$0xE420];
	[tilespmem:s11+$0x16410] =	vst v6  }
0x6f: {  	[tilespmem:s11+$0x16420] =	vst v4;
	s11 =	smov.u32 s16  }
0x70: {  	v1 =	vmul.f32 $8.000000000e+00, v1  }
0x71: {  	v2 =	vmul.f32 $8.000000000e+00, v2  }
0x72: {  	v3 =	vmul.f32 $8.000000000e+00, v3;
	[tilespmem:s11+$0x16430] =	vst v1  }
0x73: {  	[tilespmem:s11+$0x16400] =	vst v2;
	v0 =	vmul.f32 $8.000000000e+00, v0  }
0x74: {  	[tilespmem:s11+$0x16410] =	vst v3  }
0x75: {  	s16 =	sadd.s32 s0, s8;
	[tilespmem:s11+$0x16420] =	vst v0  }
0x76: {  	[hbm4b:s16+s2] =	stream.linear.scatter [tilespmem:s22], [sflag:$0x5], $0x4000, $0x38;
	[tilespmem:$0x1E400] =	vst v63  }
0x77: {  	s1 =	sadd.s32 @!p0 $0x300, s1;
	s12 =	simm.s32 @!p0 $0xE400;
	s11 =	simm.s32 @!p0 $0x80  }
0x78: {  	[tilespmem:s12], [sflag:$0x3] =	stream.indirect.gather @!p0 [hbm4b:s3+s11], $0x80, s1, s11, $0xb8;
	[tilespmem:$0x1E400] =	vst v63  }
0x79: {  	_ =	swait.ge [sflag:s29], $0x4000  }
0x7a: {  	[sflag:s29] =	ssyncset.done $0x0  }
0x7b: {  	[sflag:s29] =	ssyncadd.s32 $0xFFFFC000  }
0x7c: {  	_ =	swait.ge [sflag:s24], $0x4000  }
0x7d: {  	[sflag:s24] =	ssyncset.done $0x0  }
0x7e: {  	s1 =	simm.s32 $0x0;
	[sflag:s24] =	ssyncadd.s32 $0xFFFFC000  }
0x7f: {  	v1 =	vld [tilespmem:s1+$0x12430]  }
0x80: {  	v2 =	vld [tilespmem:s1+$0x12400]  }
0x81: {  	v3 =	vld [tilespmem:s1+$0x12410]  }
0x82: {  	v0 =	vld [tilespmem:s1+$0x12420]  }
0x83: {  	s11 =	simm.s32 $0x200  }
.LBB2_13:
0x84: {  	s12 =	sshra.s32 s11, $0x2;
	p1 =	sne.s32 s11, $0xFE00;
	s11 =	sadd.s32 $0x200, s11;
	v4 =	vmul.f32 $8.000000000e+00, v1  }
.Ltmp8:
0x85: {  	v1 =	vld [tilespmem:s12+$0x12430];
	v5 =	vmul.f32 $8.000000000e+00, v2;
	(pc) =	sbr.rel @p1 .LBB2_13-.Ltmp8, $4  }
0x86: {  	v2 =	vld [tilespmem:s12+$0x12400];
	v6 =	vmul.f32 $8.000000000e+00, v3;
	[tilespmem:s1+$0x1A430] =	vst v4  }
0x87: {  	v3 =	vld [tilespmem:s12+$0x12410];
	[tilespmem:s1+$0x1A400] =	vst v5;
	v4 =	vmul.f32 $8.000000000e+00, v0  }
0x88: {  	v0 =	vld [tilespmem:s12+$0x12420];
	[tilespmem:s1+$0x1A410] =	vst v6  }
0x89: {  	[tilespmem:s1+$0x1A420] =	vst v4;
	s1 =	smov.u32 s12  }
0x8a: {  	v1 =	vmul.f32 $8.000000000e+00, v1  }
0x8b: {  	v2 =	vmul.f32 $8.000000000e+00, v2  }
.Ltmp9:
0x8c: {  	v3 =	vmul.f32 $8.000000000e+00, v3;
	[tilespmem:s1+$0x1A430] =	vst v1;
	(pc) =	sbr.rel @p0 .LBB2_16-.Ltmp9, $4  }
0x8d: {  	[tilespmem:s1+$0x1A400] =	vst v2;
	v0 =	vmul.f32 $8.000000000e+00, v0  }
0x8e: {  	[tilespmem:s1+$0x1A410] =	vst v3  }
0x8f: {  	s0 =	sadd.s32 s0, s9;
	[tilespmem:s1+$0x1A420] =	vst v0  }
0x90: {  	[hbm4b:s0+s2] =	stream.linear.scatter [tilespmem:s25], [sflag:$0x6], $0x4000, $0x38;
	[tilespmem:$0x1E400] =	vst v63  }
.Ltmp10:
0x91: {  	(pc) =	sbr.rel .LBB2_2-.Ltmp10, $4  }
0x92: {  	s0 =	sshll.u32 s31, $0x9  }
0x93: {  	s0 =	sand.u32 $0x3FFFFE00, s0  }
0x94: {  	s31 =	sadd.s32 $0x1, s31;
	s0 =	sadd.s32 $0x380, s0  }
0x95: {  	[tilespmem:s20], [sflag:$0x4] =	stream.indirect.gather [hbm4b:s3+s14], $0x80, s0, s14, $0xb8;
	[tilespmem:$0x1E400] =	vst v63  }
.LBB2_17:
0x96: {  	_ =	sfence.sel $0x180000  }
0x97: {  	[bflag:$0x0] =	sbarrier.arrive $0xFFFF  }
0x98: {  	_ =	strace $0x90000047  }
0x99: {  	s0 =	stileid.u32;
	[bflag:$0x2] =	sbarrier.arrive $0xFFFF  }
0x9a: {  	p0 =	sne.s32 s0, $0x0;
	s0 =	rddreg [dreg:$0x2]  }
0x9b: {  	s0 =	sadd.s32 @!p0 $0x100000, s0  }
0x9c: {  	[sflag:s0] =	ssyncadd.tile.s32 @!p0 $0x1;
	_ =	shalt  }
.Lfunc_end2:
_tile_overlayer_lowered:
.L_overlay_start_2:
0x9d: {  	(tag) =	ssettag $0x2  }
0x9e: {  	s0 =	rddreg [dreg:$0x0];
	s2 =	stileid.u32  }
0x9f: {  	s1 =	rddreg [dreg:$0x1];
	p0 =	sne.s32 s2, $0x0  }
0xa0: {  	s3 =	rddreg [dreg:$0x2];
	[bflag:$0x3] =	sbarrier.arrive $0xFFFF;
	s2 =	simm.s32 @!p0 $0x1C07  }
0xa1: {  	[timem:s3], [sflag:s2] =	dma.local @!p0 [hbm:s0], s1  }
0xa2: {  	s0 =	simm.s32 @!p0 $0x7  }
0xa3: {  	_ =	swait.ge @!p0 [sflag:s0], s1  }
0xa4: {  	s1 =	ssub.s32 @!p0 $0x0, s1;
	[sflag:s0] =	ssyncset.done @!p0 $0x0  }
0xa5: {  	[sflag:s0] =	ssyncadd.s32 @!p0 s1  }
0xa6: {  	[bflag:$0x3] =	sbarrier.arrive $0xFFFF  }
0xa7: {  	_ =	shalt  }

</sc_bundles>
